<compile_context>
chip_gen: v7x
topology: tpu7x:2x2x1
jax: 0.10.2.dev20260603
libtpu: 0.0.44.dev20260713+nightly
codegen_flags: <defaults>
</compile_context>

<pallas_src>
import jax
import jax.numpy as jnp
from jax import lax
from jax.experimental import pallas as pl
from jax.experimental.pallas import tpu as pltpu
from jax.experimental.pallas import tpu_sc as plsc

_C = 1203
_Q = 900
_T = 50
_B = 32
_TP = 64
_SHIFT = 4096
_BIG = 1.0e9
_NOBJ = float(_B * _T)



def _sweep_body(pred_ref, lab_ref, tgt_ref, src_ref, out_ref):
    x = pred_ref[0]
    lab = lab_ref[0]
    tgt = tgt_ref[0]
    src = src_ref[0]

    em = jnp.exp(-x)
    u = 1.0 + em
    r = 1.0 / u
    sp = x + jnp.log(u)
    fsum = jnp.sum(sp * r * r)

    eq_t = jax.lax.broadcasted_iota(jnp.int32, (_T, _T), 0) == tgt
    label_o = jnp.sum(jnp.where(eq_t, lab, 0), axis=0, keepdims=True)

    eq_q = jax.lax.broadcasted_iota(jnp.int32, (_Q, _T), 0) == src
    enc = jnp.sum(jnp.where(eq_q, label_o + _SHIFT, 0), axis=1, keepdims=True)
    enc = enc - _SHIFT
    c_iota = jax.lax.broadcasted_iota(jnp.int32, (_Q, _C), 1)
    tmask = c_iota == enc

    mx = jnp.max(x, axis=1, keepdims=True)
    vcol = jnp.sum(jnp.where(tmask, x, 0.0), axis=1, keepdims=True)
    hit = (enc >= 0) & (enc < _C)

    mxs = jnp.sum(jnp.where(eq_q, mx, 0.0), axis=0, keepdims=True)
    xvr = jnp.sum(jnp.where(eq_q, jnp.where(hit, vcol, _BIG), 0.0),
                  axis=0, keepdims=True)

    lane = jax.lax.broadcasted_iota(jnp.int32, (1, 128), 1)
    zpad = jnp.zeros((1, _TP - _T), jnp.float32)
    out_ref[0] = (jnp.concatenate([mxs, zpad, xvr, zpad], axis=1)
                  + jnp.where(lane == 126, fsum, 0.0))



def _sc_body(tgt_hbm, src_hbm, pcp_hbm, tcp_hbm,
             cpart_hbm,
             tgt_v, src_v, pcp_v, tcp_v, cacc_v, sem):
    nc = 2
    row = lax.axis_index("s") * nc + lax.axis_index("c")

    c1 = pltpu.async_copy(tgt_hbm.at[row], tgt_v, sem)
    c2 = pltpu.async_copy(src_hbm.at[row], src_v, sem)
    c3 = pltpu.async_copy(pcp_hbm.at[row], pcp_v, sem)
    c4 = pltpu.async_copy(tcp_hbm.at[row], tcp_v, sem)
    c1.wait()
    c2.wait()
    c3.wait()
    c4.wait()

    li = lax.iota(jnp.int32, 16)
    zero = jnp.zeros((16,), jnp.int32)
    one = zero + 1
    acc = jnp.zeros((16,), jnp.float32)
    for k in range(_TP // 16):
        ti = tgt_v[pl.ds(k * 16, 16)]
        si = src_v[pl.ds(k * 16, 16)]
        px = plsc.load_gather(pcp_v, [si, zero])
        py = plsc.load_gather(pcp_v, [si, one])
        tx = plsc.load_gather(tcp_v, [ti, zero])
        ty = plsc.load_gather(tcp_v, [ti, one])
        d = jnp.abs(px - tx) + jnp.abs(py - ty)
        valid = (k * 16 + li) < _T
        acc = acc + jnp.where(valid, d, 0.0)

    cacc_v[...] = acc
    pltpu.sync_copy(cacc_v, cpart_hbm.at[row])



def _epi_body(sweep_ref, cpart_ref, out_ref):
    sweep = sweep_ref[...]
    cpart = cpart_ref[...]

    lane_tp = jax.lax.broadcasted_iota(jnp.int32, (_B, _TP), 1)
    valid = lane_tp < _T
    mxs = sweep[:, 0:_TP]
    xv = sweep[:, _TP:2 * _TP]

    cnt = jnp.sum(jnp.where(valid & (xv == mxs), 1.0, 0.0))

    live = valid & (xv < 0.5 * _BIG)
    em = jnp.exp(-xv)
    u = 1.0 + em
    r = 1.0 / u
    sp = xv + jnp.log(u)
    f0 = 0.75 * sp * r * r
    f1 = 0.25 * (sp - xv) * (1.0 - r) * (1.0 - r)
    corr = jnp.sum(jnp.where(live, f1 - f0, 0.0))

    lane128 = jax.lax.broadcasted_iota(jnp.int32, (_B, 128), 1)
    ftot = jnp.sum(jnp.where(lane128 == 126, sweep, 0.0))
    csum = jnp.sum(cpart)

    loss_ce = (0.75 * ftot + corr) / _NOBJ
    class_error = 100.0 - 100.0 * cnt / _NOBJ
    loss_cp = csum / _NOBJ

    lane = jax.lax.broadcasted_iota(jnp.int32, (1, 128), 1)
    out_ref[...] = (jnp.where(lane == 0, loss_ce, 0.0)
                    + jnp.where(lane == 1, class_error, 0.0)
                    + jnp.where(lane == 2, loss_cp, 0.0))



def kernel(pred_logits, pred_center_points, labels, tgt_center_points, src_idx, tgt_idx):
    tgt_p = jnp.pad(tgt_idx.astype(jnp.int32), ((0, 0), (0, _TP - _T)))
    src_p = jnp.pad(src_idx.astype(jnp.int32), ((0, 0), (0, _TP - _T)))
    tcp_p = jnp.pad(tgt_center_points, ((0, 0), (0, _TP - _T), (0, 0)))
    lab_r = labels.reshape(_B, _T, 1).astype(jnp.int32)
    tgt_r = tgt_idx.reshape(_B, 1, _T).astype(jnp.int32)
    src_r = src_idx.reshape(_B, 1, _T).astype(jnp.int32)

    sweep = pl.pallas_call(
        _sweep_body,
        grid=(_B,),
        in_specs=[
            pl.BlockSpec((1, _Q, _C), lambda b: (b, 0, 0)),
            pl.BlockSpec((1, _T, 1), lambda b: (b, 0, 0)),
            pl.BlockSpec((1, 1, _T), lambda b: (b, 0, 0)),
            pl.BlockSpec((1, 1, _T), lambda b: (b, 0, 0)),
        ],
        out_specs=pl.BlockSpec((1, 1, 128), lambda b: (b, 0, 0)),
        out_shape=jax.ShapeDtypeStruct((_B, 1, 128), jnp.float32),
    )(pred_logits, lab_r, tgt_r, src_r)
    sweep = sweep.reshape(_B, 128)

    mesh = plsc.VectorSubcoreMesh(core_axis_name="c", subcore_axis_name="s")
    (cpart,) = pl.kernel(
        _sc_body,
        out_type=(jax.ShapeDtypeStruct((_B, 16), jnp.float32),),
        mesh=mesh,
        compiler_params=pltpu.CompilerParams(needs_layout_passes=False),
        scratch_types=[
            pltpu.VMEM((_TP,), jnp.int32),
            pltpu.VMEM((_TP,), jnp.int32),
            pltpu.VMEM((_Q, 2), jnp.float32),
            pltpu.VMEM((_TP, 2), jnp.float32),
            pltpu.VMEM((16,), jnp.float32),
            pltpu.SemaphoreType.DMA,
        ],
    )(tgt_p, src_p, pred_center_points, tcp_p)

    out = pl.pallas_call(
        _epi_body,
        in_specs=[
            pl.BlockSpec((_B, 128), lambda: (0, 0)),
            pl.BlockSpec((_B, 16), lambda: (0, 0)),
        ],
        out_specs=pl.BlockSpec((1, 128), lambda: (0, 0)),
        out_shape=jax.ShapeDtypeStruct((1, 128), jnp.float32),
    )(sweep, cpart)

    return (out[0, 0], out[0, 1], out[0, 2])

# --- scband reference (transcript-rebuilt; emitter-appended) ---
"""Pipeline reference for scband-set-criterion-30709016166966 (READ-ONLY COPY).

The authoritative reference and input builder live on the scoring server;
editing this copy changes nothing except your own understanding.
"""

import jax, jax.numpy as jnp
import numpy as np

NUM_CLASSES = 1203
FOCAL_ALPHA = 0.25
FOCAL_GAMMA = 2.0


def setup_inputs(seed: int = 0) -> dict:
    key = jax.random.key(seed)
    k1, k2, k3, k4, k5, k6 = jax.random.split(key, 6)
    B, Q, C, T = 32, 900, NUM_CLASSES, 50
    pred_logits = jax.random.normal(k1, (B, Q, C), dtype=jnp.float32)
    pred_center_points = jax.random.uniform(k2, (B, Q, 2), dtype=jnp.float32)
    labels = jax.random.randint(k3, (B, T), 0, C)
    tgt_center_points = jax.random.uniform(k4, (B, T, 2), dtype=jnp.float32)
    src_idx = jax.random.randint(k5, (B, T), 0, Q)
    tgt_idx = jax.random.randint(k6, (B, T), 0, T)
    return {
        'pred_logits': pred_logits,
        'pred_center_points': pred_center_points,
        'labels': labels,
        'tgt_center_points': tgt_center_points,
        'src_idx': src_idx,
        'tgt_idx': tgt_idx,
    }


def sigmoid_focal_loss(inputs, targets, num_boxes, alpha=FOCAL_ALPHA, gamma=FOCAL_GAMMA):
    prob = jax.nn.sigmoid(inputs)
    # numerically stable BCE-with-logits, reduction='none'
    ce_loss = jnp.maximum(inputs, 0.0) - inputs * targets + jnp.log1p(jnp.exp(-jnp.abs(inputs)))
    p_t = prob * targets + (1.0 - prob) * (1.0 - targets)
    loss = ce_loss * ((1.0 - p_t) ** gamma)
    alpha_t = alpha * targets + (1.0 - alpha) * (1.0 - targets)
    loss = alpha_t * loss
    return loss.mean(1).sum() / num_boxes


def reference(pred_logits, pred_center_points, labels, tgt_center_points, src_idx, tgt_idx):
    # matcher output (indices) is precomputed as (src_idx, tgt_idx); focal_loss=True path
    B, Q, C = pred_logits.shape
    T = labels.shape[1]
    num_objects = jnp.asarray(B * T, dtype=jnp.float32)

    batch_idx = jnp.repeat(jnp.arange(B), T)
    src_flat = src_idx.reshape(-1)

    # target_classes_o = cat([t['labels'][J] for ...])
    target_classes_o = jnp.take_along_axis(labels, tgt_idx, axis=1).reshape(-1)

    # target_classes full of num_classes, scatter matched labels
    target_classes = jnp.full((B, Q), C, dtype=jnp.int32)
    target_classes = target_classes.at[batch_idx, src_flat].set(target_classes_o.astype(jnp.int32))

    # one-hot over num_classes+1, drop last column
    target_classes_onehot = jax.nn.one_hot(target_classes, C + 1, dtype=pred_logits.dtype)[:, :, :-1]

    loss_ce = sigmoid_focal_loss(pred_logits, target_classes_onehot, num_objects) * Q

    # class_error = 100 - top1 accuracy on matched queries
    src_logits_matched = pred_logits[batch_idx, src_flat]
    pred_cls = jnp.argmax(jax.lax.stop_gradient(src_logits_matched), axis=-1)
    acc = jnp.mean((pred_cls == target_classes_o).astype(jnp.float32)) * 100.0
    class_error = 100.0 - acc

    # L1 center point loss
    src_cps = pred_center_points[batch_idx, src_flat]
    tgt_cps = jnp.take_along_axis(tgt_center_points, tgt_idx[:, :, None], axis=1).reshape(-1, 2)
    loss_center_point = jnp.abs(src_cps - tgt_cps).sum() / num_objects

    return (loss_ce, class_error, loss_center_point)

if __name__ == "__main__":
    import jax
    _d = setup_inputs()
    print(jax.jit(kernel)(*tuple(_d.values())))

</pallas_src>

<mosaic_0001>
#map = affine_map<(d0, d1) -> (0, 0)>
#map1 = affine_map<(d0, d1) -> (0, 0, 0)>
module attributes {stable_mosaic.version = 14 : i64} {
  func.func @_sc_body(%arg0: i32, %arg1: i32, %arg2: memref<32x64xi32, #tpu.memory_space<hbm>>, %arg3: memref<32x64xi32, #tpu.memory_space<hbm>>, %arg4: memref<32x900x2xf32, #tpu.memory_space<hbm>>, %arg5: memref<32x64x2xf32, #tpu.memory_space<hbm>>, %arg6: memref<32x16xf32, #tpu.memory_space<hbm>>, %arg7: memref<64xi32, #tpu.memory_space<vmem>>, %arg8: memref<64xi32, #tpu.memory_space<vmem>>, %arg9: memref<900x2xf32, #tpu.memory_space<vmem>>, %arg10: memref<64x2xf32, #tpu.memory_space<vmem>>, %arg11: memref<16xf32, #tpu.memory_space<vmem>>, %arg12: memref<!tpu.dma_semaphore, #tpu.memory_space<semaphore_mem>>) attributes {dimension_semantics = [#tpu.dimension_semantics<core_parallel>, #tpu.dimension_semantics<subcore_parallel>], iteration_bounds = array<i64: 2, 16>, scalar_prefetch = 0 : i64, scratch_operands = 6 : i64, tpu.core_type = #tpu.core_type<sc_vector_subcore>, window_params = [{transform_indices = #map}, {transform_indices = #map}, {transform_indices = #map1}, {transform_indices = #map1}, {transform_indices = #map}]} {
    %mul3A = arith.constant 2 : i32
    %mul3A_0 = arith.muli %arg1, %mul3A : i32
    %add3A = arith.addi %mul3A_0, %arg0 : i32
    %dma_start3A = arith.constant 0 : i32
    %dma_start3A_1 = tpu.memref_slice %arg2[%add3A, %dma_start3A] : memref<32x64xi32, #tpu.memory_space<hbm>> -> memref<1x64xi32, #tpu.memory_space<hbm>>
    %dma_start3A_2 = tpu.memref_squeeze %dma_start3A_1 : memref<1x64xi32, #tpu.memory_space<hbm>> -> memref<64xi32, #tpu.memory_space<hbm>>
    %dma_start3A_3 = arith.constant 0 : i32
    %dma_start3A_4 = tpu.memref_slice %arg2[%add3A, %dma_start3A_3] : memref<32x64xi32, #tpu.memory_space<hbm>> -> memref<1x64xi32, #tpu.memory_space<hbm>>
    %dma_start3A_5 = tpu.memref_squeeze %dma_start3A_4 : memref<1x64xi32, #tpu.memory_space<hbm>> -> memref<64xi32, #tpu.memory_space<hbm>>
    tpu.enqueue_dma source(%dma_start3A_5 : memref<64xi32, #tpu.memory_space<hbm>>) target(%arg7 : memref<64xi32, #tpu.memory_space<vmem>>) target_semaphore(%arg12 : memref<!tpu.dma_semaphore, #tpu.memory_space<semaphore_mem>>)
    %dma_start3A_6 = arith.constant 0 : i32
    %dma_start3A_7 = tpu.memref_slice %arg3[%add3A, %dma_start3A_6] : memref<32x64xi32, #tpu.memory_space<hbm>> -> memref<1x64xi32, #tpu.memory_space<hbm>>
    %dma_start3A_8 = tpu.memref_squeeze %dma_start3A_7 : memref<1x64xi32, #tpu.memory_space<hbm>> -> memref<64xi32, #tpu.memory_space<hbm>>
    %dma_start3A_9 = arith.constant 0 : i32
    %dma_start3A_10 = tpu.memref_slice %arg3[%add3A, %dma_start3A_9] : memref<32x64xi32, #tpu.memory_space<hbm>> -> memref<1x64xi32, #tpu.memory_space<hbm>>
    %dma_start3A_11 = tpu.memref_squeeze %dma_start3A_10 : memref<1x64xi32, #tpu.memory_space<hbm>> -> memref<64xi32, #tpu.memory_space<hbm>>
    tpu.enqueue_dma source(%dma_start3A_11 : memref<64xi32, #tpu.memory_space<hbm>>) target(%arg8 : memref<64xi32, #tpu.memory_space<vmem>>) target_semaphore(%arg12 : memref<!tpu.dma_semaphore, #tpu.memory_space<semaphore_mem>>)
    %dma_start3A_12 = arith.constant 0 : i32
    %dma_start3A_13 = arith.constant 0 : i32
    %dma_start3A_14 = tpu.memref_slice %arg4[%add3A, %dma_start3A_12, %dma_start3A_13] : memref<32x900x2xf32, #tpu.memory_space<hbm>> -> memref<1x900x2xf32, #tpu.memory_space<hbm>>
    %dma_start3A_15 = tpu.memref_squeeze %dma_start3A_14 : memref<1x900x2xf32, #tpu.memory_space<hbm>> -> memref<900x2xf32, #tpu.memory_space<hbm>>
    %dma_start3A_16 = arith.constant 0 : i32
    %dma_start3A_17 = arith.constant 0 : i32
    %dma_start3A_18 = tpu.memref_slice %arg4[%add3A, %dma_start3A_16, %dma_start3A_17] : memref<32x900x2xf32, #tpu.memory_space<hbm>> -> memref<1x900x2xf32, #tpu.memory_space<hbm>>
    %dma_start3A_19 = tpu.memref_squeeze %dma_start3A_18 : memref<1x900x2xf32, #tpu.memory_space<hbm>> -> memref<900x2xf32, #tpu.memory_space<hbm>>
    tpu.enqueue_dma source(%dma_start3A_19 : memref<900x2xf32, #tpu.memory_space<hbm>>) target(%arg9 : memref<900x2xf32, #tpu.memory_space<vmem>>) target_semaphore(%arg12 : memref<!tpu.dma_semaphore, #tpu.memory_space<semaphore_mem>>)
    %dma_start3A_20 = arith.constant 0 : i32
    %dma_start3A_21 = arith.constant 0 : i32
    %dma_start3A_22 = tpu.memref_slice %arg5[%add3A, %dma_start3A_20, %dma_start3A_21] : memref<32x64x2xf32, #tpu.memory_space<hbm>> -> memref<1x64x2xf32, #tpu.memory_space<hbm>>
    %dma_start3A_23 = tpu.memref_squeeze %dma_start3A_22 : memref<1x64x2xf32, #tpu.memory_space<hbm>> -> memref<64x2xf32, #tpu.memory_space<hbm>>
    %dma_start3A_24 = arith.constant 0 : i32
    %dma_start3A_25 = arith.constant 0 : i32
    %dma_start3A_26 = tpu.memref_slice %arg5[%add3A, %dma_start3A_24, %dma_start3A_25] : memref<32x64x2xf32, #tpu.memory_space<hbm>> -> memref<1x64x2xf32, #tpu.memory_space<hbm>>
    %dma_start3A_27 = tpu.memref_squeeze %dma_start3A_26 : memref<1x64x2xf32, #tpu.memory_space<hbm>> -> memref<64x2xf32, #tpu.memory_space<hbm>>
    tpu.enqueue_dma source(%dma_start3A_27 : memref<64x2xf32, #tpu.memory_space<hbm>>) target(%arg10 : memref<64x2xf32, #tpu.memory_space<vmem>>) target_semaphore(%arg12 : memref<!tpu.dma_semaphore, #tpu.memory_space<semaphore_mem>>)
    %dma_wait3A = arith.constant 0 : i32
    %dma_wait3A_28 = tpu.memref_slice %arg2[%add3A, %dma_wait3A] : memref<32x64xi32, #tpu.memory_space<hbm>> -> memref<1x64xi32, #tpu.memory_space<hbm>>
    %dma_wait3A_29 = tpu.memref_squeeze %dma_wait3A_28 : memref<1x64xi32, #tpu.memory_space<hbm>> -> memref<64xi32, #tpu.memory_space<hbm>>
    %dma_wait3A_30 = arith.constant 0 : i32
    %dma_wait3A_31 = tpu.memref_slice %arg2[%add3A, %dma_wait3A_30] : memref<32x64xi32, #tpu.memory_space<hbm>> -> memref<1x64xi32, #tpu.memory_space<hbm>>
    %dma_wait3A_32 = tpu.memref_squeeze %dma_wait3A_31 : memref<1x64xi32, #tpu.memory_space<hbm>> -> memref<64xi32, #tpu.memory_space<hbm>>
    tpu.wait_dma2 semaphore(%arg12 : memref<!tpu.dma_semaphore, #tpu.memory_space<semaphore_mem>>) src(%dma_wait3A_32 : memref<64xi32, #tpu.memory_space<hbm>>) dst(%arg7 : memref<64xi32, #tpu.memory_space<vmem>>)
    %dma_wait3A_33 = arith.constant 0 : i32
    %dma_wait3A_34 = tpu.memref_slice %arg3[%add3A, %dma_wait3A_33] : memref<32x64xi32, #tpu.memory_space<hbm>> -> memref<1x64xi32, #tpu.memory_space<hbm>>
    %dma_wait3A_35 = tpu.memref_squeeze %dma_wait3A_34 : memref<1x64xi32, #tpu.memory_space<hbm>> -> memref<64xi32, #tpu.memory_space<hbm>>
    %dma_wait3A_36 = arith.constant 0 : i32
    %dma_wait3A_37 = tpu.memref_slice %arg3[%add3A, %dma_wait3A_36] : memref<32x64xi32, #tpu.memory_space<hbm>> -> memref<1x64xi32, #tpu.memory_space<hbm>>
    %dma_wait3A_38 = tpu.memref_squeeze %dma_wait3A_37 : memref<1x64xi32, #tpu.memory_space<hbm>> -> memref<64xi32, #tpu.memory_space<hbm>>
    tpu.wait_dma2 semaphore(%arg12 : memref<!tpu.dma_semaphore, #tpu.memory_space<semaphore_mem>>) src(%dma_wait3A_38 : memref<64xi32, #tpu.memory_space<hbm>>) dst(%arg8 : memref<64xi32, #tpu.memory_space<vmem>>)
    %dma_wait3A_39 = arith.constant 0 : i32
    %dma_wait3A_40 = arith.constant 0 : i32
    %dma_wait3A_41 = tpu.memref_slice %arg4[%add3A, %dma_wait3A_39, %dma_wait3A_40] : memref<32x900x2xf32, #tpu.memory_space<hbm>> -> memref<1x900x2xf32, #tpu.memory_space<hbm>>
    %dma_wait3A_42 = tpu.memref_squeeze %dma_wait3A_41 : memref<1x900x2xf32, #tpu.memory_space<hbm>> -> memref<900x2xf32, #tpu.memory_space<hbm>>
    %dma_wait3A_43 = arith.constant 0 : i32
    %dma_wait3A_44 = arith.constant 0 : i32
    %dma_wait3A_45 = tpu.memref_slice %arg4[%add3A, %dma_wait3A_43, %dma_wait3A_44] : memref<32x900x2xf32, #tpu.memory_space<hbm>> -> memref<1x900x2xf32, #tpu.memory_space<hbm>>
    %dma_wait3A_46 = tpu.memref_squeeze %dma_wait3A_45 : memref<1x900x2xf32, #tpu.memory_space<hbm>> -> memref<900x2xf32, #tpu.memory_space<hbm>>
    tpu.wait_dma2 semaphore(%arg12 : memref<!tpu.dma_semaphore, #tpu.memory_space<semaphore_mem>>) src(%dma_wait3A_46 : memref<900x2xf32, #tpu.memory_space<hbm>>) dst(%arg9 : memref<900x2xf32, #tpu.memory_space<vmem>>)
    %dma_wait3A_47 = arith.constant 0 : i32
    %dma_wait3A_48 = arith.constant 0 : i32
    %dma_wait3A_49 = tpu.memref_slice %arg5[%add3A, %dma_wait3A_47, %dma_wait3A_48] : memref<32x64x2xf32, #tpu.memory_space<hbm>> -> memref<1x64x2xf32, #tpu.memory_space<hbm>>
    %dma_wait3A_50 = tpu.memref_squeeze %dma_wait3A_49 : memref<1x64x2xf32, #tpu.memory_space<hbm>> -> memref<64x2xf32, #tpu.memory_space<hbm>>
    %dma_wait3A_51 = arith.constant 0 : i32
    %dma_wait3A_52 = arith.constant 0 : i32
    %dma_wait3A_53 = tpu.memref_slice %arg5[%add3A, %dma_wait3A_51, %dma_wait3A_52] : memref<32x64x2xf32, #tpu.memory_space<hbm>> -> memref<1x64x2xf32, #tpu.memory_space<hbm>>
    %dma_wait3A_54 = tpu.memref_squeeze %dma_wait3A_53 : memref<1x64x2xf32, #tpu.memory_space<hbm>> -> memref<64x2xf32, #tpu.memory_space<hbm>>
    tpu.wait_dma2 semaphore(%arg12 : memref<!tpu.dma_semaphore, #tpu.memory_space<semaphore_mem>>) src(%dma_wait3A_54 : memref<64x2xf32, #tpu.memory_space<hbm>>) dst(%arg10 : memref<64x2xf32, #tpu.memory_space<vmem>>)
    %iota3A = tpu.iota {dimensions = array<i32: 0>} : vector<16xi32>
    %broadcast_in_dim3A = arith.constant 0 : i32
    %broadcast_in_dim3A_55 = vector.broadcast %broadcast_in_dim3A : i32 to vector<16xi32>
    %add3A_56 = arith.constant 1 : i32
    %add3A_57 = vector.broadcast %add3A_56 : i32 to vector<16xi32>
    %add3A_58 = arith.addi %broadcast_in_dim3A_55, %add3A_57 : vector<16xi32>
    %broadcast_in_dim3A_59 = arith.constant 0.000000e+00 : f32
    %broadcast_in_dim3A_60 = vector.broadcast %broadcast_in_dim3A_59 : f32 to vector<16xf32>
    %get3A = arith.constant 0 : index
    %get3A_61 = tpu.vector_load %arg7[%get3A] {strides = array<i32>} : memref<64xi32, #tpu.memory_space<vmem>>, vector<16xi32>,
    %get3A_62 = arith.constant 0 : index
    %get3A_63 = tpu.vector_load %arg8[%get3A_62] {strides = array<i32>} : memref<64xi32, #tpu.memory_space<vmem>>, vector<16xi32>,
    %gather3A = tpu.vector_load_idx %arg9[%get3A_63, %broadcast_in_dim3A_55] : memref<900x2xf32, #tpu.memory_space<vmem>>[vector<16xi32>, vector<16xi32>], vector<16xf32>,
    %gather3A_64 = tpu.vector_load_idx %arg9[%get3A_63, %add3A_58] : memref<900x2xf32, #tpu.memory_space<vmem>>[vector<16xi32>, vector<16xi32>], vector<16xf32>,
    %gather3A_65 = tpu.vector_load_idx %arg10[%get3A_61, %broadcast_in_dim3A_55] : memref<64x2xf32, #tpu.memory_space<vmem>>[vector<16xi32>, vector<16xi32>], vector<16xf32>,
    %gather3A_66 = tpu.vector_load_idx %arg10[%get3A_61, %add3A_58] : memref<64x2xf32, #tpu.memory_space<vmem>>[vector<16xi32>, vector<16xi32>], vector<16xf32>,
    %sub3A = arith.subf %gather3A, %gather3A_65 : vector<16xf32>
    %abs3A = math.absf %sub3A : vector<16xf32>
    %sub3A_67 = arith.subf %gather3A_64, %gather3A_66 : vector<16xf32>
    %abs3A_68 = math.absf %sub3A_67 : vector<16xf32>
    %add3A_69 = arith.addf %abs3A, %abs3A_68 : vector<16xf32>
    %add3A_70 = arith.constant 0 : i32
    %add3A_71 = vector.broadcast %add3A_70 : i32 to vector<16xi32>
    %add3A_72 = arith.addi %add3A_71, %iota3A : vector<16xi32>
    %lt3A = arith.constant 50 : i32
    %lt3A_73 = vector.broadcast %lt3A : i32 to vector<16xi32>
    %lt3A_74 = arith.cmpi slt, %add3A_72, %lt3A_73 : vector<16xi32>
    %jit3A = arith.constant 0.000000e+00 : f32
    %broadcast_in_dim3A_75 = vector.broadcast %jit3A : f32 to vector<16xf32>
    %select_n3A = arith.select %lt3A_74, %add3A_69, %broadcast_in_dim3A_75 : vector<16xi1>, vector<16xf32>
    %add3A_76 = arith.addf %broadcast_in_dim3A_60, %select_n3A : vector<16xf32>
    %get3A_77 = arith.constant 16 : index
    %get3A_78 = tpu.vector_load %arg7[%get3A_77] {strides = array<i32>} : memref<64xi32, #tpu.memory_space<vmem>>, vector<16xi32>,
    %get3A_79 = arith.constant 16 : index
    %get3A_80 = tpu.vector_load %arg8[%get3A_79] {strides = array<i32>} : memref<64xi32, #tpu.memory_space<vmem>>, vector<16xi32>,
    %gather3A_81 = tpu.vector_load_idx %arg9[%get3A_80, %broadcast_in_dim3A_55] : memref<900x2xf32, #tpu.memory_space<vmem>>[vector<16xi32>, vector<16xi32>], vector<16xf32>,
    %gather3A_82 = tpu.vector_load_idx %arg9[%get3A_80, %add3A_58] : memref<900x2xf32, #tpu.memory_space<vmem>>[vector<16xi32>, vector<16xi32>], vector<16xf32>,
    %gather3A_83 = tpu.vector_load_idx %arg10[%get3A_78, %broadcast_in_dim3A_55] : memref<64x2xf32, #tpu.memory_space<vmem>>[vector<16xi32>, vector<16xi32>], vector<16xf32>,
    %gather3A_84 = tpu.vector_load_idx %arg10[%get3A_78, %add3A_58] : memref<64x2xf32, #tpu.memory_space<vmem>>[vector<16xi32>, vector<16xi32>], vector<16xf32>,
    %sub3A_85 = arith.subf %gather3A_81, %gather3A_83 : vector<16xf32>
    %abs3A_86 = math.absf %sub3A_85 : vector<16xf32>
    %sub3A_87 = arith.subf %gather3A_82, %gather3A_84 : vector<16xf32>
    %abs3A_88 = math.absf %sub3A_87 : vector<16xf32>
    %add3A_89 = arith.addf %abs3A_86, %abs3A_88 : vector<16xf32>
    %add3A_90 = arith.constant 16 : i32
    %add3A_91 = vector.broadcast %add3A_90 : i32 to vector<16xi32>
    %add3A_92 = arith.addi %add3A_91, %iota3A : vector<16xi32>
    %lt3A_93 = arith.constant 50 : i32
    %lt3A_94 = vector.broadcast %lt3A_93 : i32 to vector<16xi32>
    %lt3A_95 = arith.cmpi slt, %add3A_92, %lt3A_94 : vector<16xi32>
    %jit3A_96 = arith.constant 0.000000e+00 : f32
    %broadcast_in_dim3A_97 = vector.broadcast %jit3A_96 : f32 to vector<16xf32>
    %select_n3A_98 = arith.select %lt3A_95, %add3A_89, %broadcast_in_dim3A_97 : vector<16xi1>, vector<16xf32>
    %add3A_99 = arith.addf %add3A_76, %select_n3A_98 : vector<16xf32>
    %get3A_100 = arith.constant 32 : index
    %get3A_101 = tpu.vector_load %arg7[%get3A_100] {strides = array<i32>} : memref<64xi32, #tpu.memory_space<vmem>>, vector<16xi32>,
    %get3A_102 = arith.constant 32 : index
    %get3A_103 = tpu.vector_load %arg8[%get3A_102] {strides = array<i32>} : memref<64xi32, #tpu.memory_space<vmem>>, vector<16xi32>,
    %gather3A_104 = tpu.vector_load_idx %arg9[%get3A_103, %broadcast_in_dim3A_55] : memref<900x2xf32, #tpu.memory_space<vmem>>[vector<16xi32>, vector<16xi32>], vector<16xf32>,
    %gather3A_105 = tpu.vector_load_idx %arg9[%get3A_103, %add3A_58] : memref<900x2xf32, #tpu.memory_space<vmem>>[vector<16xi32>, vector<16xi32>], vector<16xf32>,
    %gather3A_106 = tpu.vector_load_idx %arg10[%get3A_101, %broadcast_in_dim3A_55] : memref<64x2xf32, #tpu.memory_space<vmem>>[vector<16xi32>, vector<16xi32>], vector<16xf32>,
    %gather3A_107 = tpu.vector_load_idx %arg10[%get3A_101, %add3A_58] : memref<64x2xf32, #tpu.memory_space<vmem>>[vector<16xi32>, vector<16xi32>], vector<16xf32>,
    %sub3A_108 = arith.subf %gather3A_104, %gather3A_106 : vector<16xf32>
    %abs3A_109 = math.absf %sub3A_108 : vector<16xf32>
    %sub3A_110 = arith.subf %gather3A_105, %gather3A_107 : vector<16xf32>
    %abs3A_111 = math.absf %sub3A_110 : vector<16xf32>
    %add3A_112 = arith.addf %abs3A_109, %abs3A_111 : vector<16xf32>
    %add3A_113 = arith.constant 32 : i32
    %add3A_114 = vector.broadcast %add3A_113 : i32 to vector<16xi32>
    %add3A_115 = arith.addi %add3A_114, %iota3A : vector<16xi32>
    %lt3A_116 = arith.constant 50 : i32
    %lt3A_117 = vector.broadcast %lt3A_116 : i32 to vector<16xi32>
    %lt3A_118 = arith.cmpi slt, %add3A_115, %lt3A_117 : vector<16xi32>
    %jit3A_119 = arith.constant 0.000000e+00 : f32
    %broadcast_in_dim3A_120 = vector.broadcast %jit3A_119 : f32 to vector<16xf32>
    %select_n3A_121 = arith.select %lt3A_118, %add3A_112, %broadcast_in_dim3A_120 : vector<16xi1>, vector<16xf32>
    %add3A_122 = arith.addf %add3A_99, %select_n3A_121 : vector<16xf32>
    %get3A_123 = arith.constant 48 : index
    %get3A_124 = tpu.vector_load %arg7[%get3A_123] {strides = array<i32>} : memref<64xi32, #tpu.memory_space<vmem>>, vector<16xi32>,
    %get3A_125 = arith.constant 48 : index
    %get3A_126 = tpu.vector_load %arg8[%get3A_125] {strides = array<i32>} : memref<64xi32, #tpu.memory_space<vmem>>, vector<16xi32>,
    %gather3A_127 = tpu.vector_load_idx %arg9[%get3A_126, %broadcast_in_dim3A_55] : memref<900x2xf32, #tpu.memory_space<vmem>>[vector<16xi32>, vector<16xi32>], vector<16xf32>,
    %gather3A_128 = tpu.vector_load_idx %arg9[%get3A_126, %add3A_58] : memref<900x2xf32, #tpu.memory_space<vmem>>[vector<16xi32>, vector<16xi32>], vector<16xf32>,
    %gather3A_129 = tpu.vector_load_idx %arg10[%get3A_124, %broadcast_in_dim3A_55] : memref<64x2xf32, #tpu.memory_space<vmem>>[vector<16xi32>, vector<16xi32>], vector<16xf32>,
    %gather3A_130 = tpu.vector_load_idx %arg10[%get3A_124, %add3A_58] : memref<64x2xf32, #tpu.memory_space<vmem>>[vector<16xi32>, vector<16xi32>], vector<16xf32>,
    %sub3A_131 = arith.subf %gather3A_127, %gather3A_129 : vector<16xf32>
    %abs3A_132 = math.absf %sub3A_131 : vector<16xf32>
    %sub3A_133 = arith.subf %gather3A_128, %gather3A_130 : vector<16xf32>
    %abs3A_134 = math.absf %sub3A_133 : vector<16xf32>
    %add3A_135 = arith.addf %abs3A_132, %abs3A_134 : vector<16xf32>
    %add3A_136 = arith.constant 48 : i32
    %add3A_137 = vector.broadcast %add3A_136 : i32 to vector<16xi32>
    %add3A_138 = arith.addi %add3A_137, %iota3A : vector<16xi32>
    %lt3A_139 = arith.constant 50 : i32
    %lt3A_140 = vector.broadcast %lt3A_139 : i32 to vector<16xi32>
    %lt3A_141 = arith.cmpi slt, %add3A_138, %lt3A_140 : vector<16xi32>
    %jit3A_142 = arith.constant 0.000000e+00 : f32
    %broadcast_in_dim3A_143 = vector.broadcast %jit3A_142 : f32 to vector<16xf32>
    %select_n3A_144 = arith.select %lt3A_141, %add3A_135, %broadcast_in_dim3A_143 : vector<16xi1>, vector<16xf32>
    %add3A_145 = arith.addf %add3A_122, %select_n3A_144 : vector<16xf32>
    %swap3A = arith.constant 0 : index
    %swap3A_146 = tpu.vector_load %arg11[%swap3A] {strides = array<i32>} : memref<16xf32, #tpu.memory_space<vmem>>, vector<16xf32>,
    tpu.vector_store %arg11[%swap3A], %add3A_145 {strides = array<i32>} : memref<16xf32, #tpu.memory_space<vmem>>, vector<16xf32>,
    "tpu.region"() ({
      %run_scoped3A = tpu.sem_alloc : memref<!tpu.dma_semaphore, #tpu.memory_space<semaphore_mem>>
      %dma_start3A_147 = arith.constant 0 : i32
      %dma_start3A_148 = tpu.memref_slice %arg6[%add3A, %dma_start3A_147] : memref<32x16xf32, #tpu.memory_space<hbm>> -> memref<1x16xf32, #tpu.memory_space<hbm>>
      %dma_start3A_149 = tpu.memref_squeeze %dma_start3A_148 : memref<1x16xf32, #tpu.memory_space<hbm>> -> memref<16xf32, #tpu.memory_space<hbm>>
      %dma_start3A_150 = arith.constant 0 : i32
      %dma_start3A_151 = tpu.memref_slice %arg6[%add3A, %dma_start3A_150] : memref<32x16xf32, #tpu.memory_space<hbm>> -> memref<1x16xf32, #tpu.memory_space<hbm>>
      %dma_start3A_152 = tpu.memref_squeeze %dma_start3A_151 : memref<1x16xf32, #tpu.memory_space<hbm>> -> memref<16xf32, #tpu.memory_space<hbm>>
      tpu.enqueue_dma source(%arg11 : memref<16xf32, #tpu.memory_space<vmem>>) target(%dma_start3A_152 : memref<16xf32, #tpu.memory_space<hbm>>) target_semaphore(%run_scoped3A : memref<!tpu.dma_semaphore, #tpu.memory_space<semaphore_mem>>)
      %dma_wait3A_153 = arith.constant 0 : i32
      %dma_wait3A_154 = tpu.memref_slice %arg6[%add3A, %dma_wait3A_153] : memref<32x16xf32, #tpu.memory_space<hbm>> -> memref<1x16xf32, #tpu.memory_space<hbm>>
      %dma_wait3A_155 = tpu.memref_squeeze %dma_wait3A_154 : memref<1x16xf32, #tpu.memory_space<hbm>> -> memref<16xf32, #tpu.memory_space<hbm>>
      %dma_wait3A_156 = arith.constant 0 : i32
      %dma_wait3A_157 = tpu.memref_slice %arg6[%add3A, %dma_wait3A_156] : memref<32x16xf32, #tpu.memory_space<hbm>> -> memref<1x16xf32, #tpu.memory_space<hbm>>
      %dma_wait3A_158 = tpu.memref_squeeze %dma_wait3A_157 : memref<1x16xf32, #tpu.memory_space<hbm>> -> memref<16xf32, #tpu.memory_space<hbm>>
      tpu.wait_dma2 semaphore(%run_scoped3A : memref<!tpu.dma_semaphore, #tpu.memory_space<semaphore_mem>>) src(%arg11 : memref<16xf32, #tpu.memory_space<vmem>>) dst(%dma_wait3A_158 : memref<16xf32, #tpu.memory_space<hbm>>)
      tpu.yield
    }) : () -> ()
    return
  }
}

module attributes {stable_mosaic.version = 14 : i64} {
  func.func @_sweep_body(%arg0: i32, %arg1: memref<1x900x1203xf32, #tpu.memory_space<vmem>>, %arg2: memref<1x50x1xi32, #tpu.memory_space<vmem>>, %arg3: memref<1x1x50xi32, #tpu.memory_space<vmem>>, %arg4: memref<1x1x50xi32, #tpu.memory_space<vmem>>, %arg5: memref<1x1x128xf32, #tpu.memory_space<vmem>>) attributes {dimension_semantics = [#tpu.dimension_semantics<arbitrary>], iteration_bounds = array<i64: 32>, scalar_prefetch = 0 : i64, scratch_operands = 0 : i64, tpu.core_type = #tpu.core_type<tc>, window_params = [{transform_indices = @transform_0, window_bounds = array<i64: 1, 900, 1203>}, {transform_indices = @transform_1, window_bounds = array<i64: 1, 50, 1>}, {transform_indices = @transform_2, window_bounds = array<i64: 1, 1, 50>}, {transform_indices = @transform_3, window_bounds = array<i64: 1, 1, 50>}, {transform_indices = @transform_4, window_bounds = array<i64: 1, 1, 128>}]} {
    %get3A = arith.constant 0 : index
    %get3A_0 = arith.constant 0 : index
    %get3A_1 = arith.constant 0 : index
    %get3A_2 = vector.load %arg1[%get3A, %get3A_0, %get3A_1] : memref<1x900x1203xf32, #tpu.memory_space<vmem>>, vector<1x900x1203xf32>
    %get3A_3 = vector.shape_cast %get3A_2 : vector<1x900x1203xf32> to vector<900x1203xf32>
    %get3A_4 = arith.constant 0 : index
    %get3A_5 = arith.constant 0 : index
    %get3A_6 = arith.constant 0 : index
    %get3A_7 = vector.load %arg2[%get3A_4, %get3A_5, %get3A_6] : memref<1x50x1xi32, #tpu.memory_space<vmem>>, vector<1x50x1xi32>
    %get3A_8 = vector.shape_cast %get3A_7 : vector<1x50x1xi32> to vector<50x1xi32>
    %get3A_9 = arith.constant 0 : index
    %get3A_10 = arith.constant 0 : index
    %get3A_11 = arith.constant 0 : index
    %get3A_12 = vector.load %arg3[%get3A_9, %get3A_10, %get3A_11] : memref<1x1x50xi32, #tpu.memory_space<vmem>>, vector<1x1x50xi32>
    %get3A_13 = vector.shape_cast %get3A_12 : vector<1x1x50xi32> to vector<1x50xi32>
    %get3A_14 = arith.constant 0 : index
    %get3A_15 = arith.constant 0 : index
    %get3A_16 = arith.constant 0 : index
    %get3A_17 = vector.load %arg4[%get3A_14, %get3A_15, %get3A_16] : memref<1x1x50xi32, #tpu.memory_space<vmem>>, vector<1x1x50xi32>
    %get3A_18 = vector.shape_cast %get3A_17 : vector<1x1x50xi32> to vector<1x50xi32>
    %neg3A = arith.constant 0.000000e+00 : f32
    %neg3A_19 = vector.broadcast %neg3A : f32 to vector<900x1203xf32>
    %neg3A_20 = arith.subf %neg3A_19, %get3A_3 : vector<900x1203xf32>
    %exp3A = math.exp %neg3A_20 : vector<900x1203xf32>
    %add3A = arith.constant 1.000000e+00 : f32
    %add3A_21 = vector.broadcast %add3A : f32 to vector<900x1203xf32>
    %add3A_22 = arith.addf %add3A_21, %exp3A : vector<900x1203xf32>
    %div3A = arith.constant 1.000000e+00 : f32
    %div3A_23 = vector.broadcast %div3A : f32 to vector<900x1203xf32>
    %div3A_24 = arith.divf %div3A_23, %add3A_22 : vector<900x1203xf32>
    %log3A = math.log %add3A_22 : vector<900x1203xf32>
    %add3A_25 = arith.addf %get3A_3, %log3A : vector<900x1203xf32>
    %mul3A = arith.mulf %add3A_25, %div3A_24 : vector<900x1203xf32>
    %mul3A_26 = arith.mulf %mul3A, %div3A_24 : vector<900x1203xf32>
    %reduce_sum3A = vector.shape_cast %mul3A_26 : vector<900x1203xf32> to vector<1x900x1203xf32>
    %reduce_sum3A_27 = arith.constant dense<0.000000e+00> : vector<1xf32>
    %reduce_sum3A_28 = vector.multi_reduction <add>, %reduce_sum3A, %reduce_sum3A_27 [1, 2] : vector<1x900x1203xf32> to vector<1xf32>
    %reduce_sum3A_29 = vector.shape_cast %reduce_sum3A_28 : vector<1xf32> to vector<1x1x1xf32>
    %reduce_sum3A_30 = vector.extract %reduce_sum3A_29[0, 0, 0] : f32 from vector<1x1x1xf32>
    %iota3A = tpu.iota {dimensions = array<i32: 0>} : vector<50x50xi32>
    %eq3A = vector.broadcast %get3A_13 : vector<1x50xi32> to vector<50x50xi32>
    %eq3A_31 = arith.cmpi eq, %iota3A, %eq3A : vector<50x50xi32>
    %jit3A = arith.constant 0 : i32
    %broadcast_in_dim3A = vector.shape_cast %get3A_8 : vector<50x1xi32> to vector<50x1xi32>
    %broadcast_in_dim3A_32 = vector.broadcast %broadcast_in_dim3A : vector<50x1xi32> to vector<50x50xi32>
    %broadcast_in_dim3A_33 = vector.broadcast %jit3A : i32 to vector<50x50xi32>
    %select_n3A = arith.select %eq3A_31, %broadcast_in_dim3A_32, %broadcast_in_dim3A_33 : vector<50x50xi1>, vector<50x50xi32>
    %reduce_sum3A_34 = arith.constant dense<0> : vector<50xi32>
    %reduce_sum3A_35 = vector.multi_reduction <add>, %select_n3A, %reduce_sum3A_34 [0] : vector<50x50xi32> to vector<50xi32>
    %broadcast_in_dim3A_36 = vector.shape_cast %reduce_sum3A_35 : vector<50xi32> to vector<1x50xi32>
    %iota3A_37 = tpu.iota {dimensions = array<i32: 0>} : vector<900x50xi32>
    %eq3A_38 = vector.broadcast %get3A_18 : vector<1x50xi32> to vector<900x50xi32>
    %eq3A_39 = arith.cmpi eq, %iota3A_37, %eq3A_38 : vector<900x50xi32>
    %add3A_40 = arith.constant 4096 : i32
    %add3A_41 = vector.broadcast %add3A_40 : i32 to vector<1x50xi32>
    %add3A_42 = arith.addi %broadcast_in_dim3A_36, %add3A_41 : vector<1x50xi32>
    %jit3A_43 = arith.constant 0 : i32
    %broadcast_in_dim3A_44 = vector.shape_cast %add3A_42 : vector<1x50xi32> to vector<1x50xi32>
    %broadcast_in_dim3A_45 = vector.broadcast %broadcast_in_dim3A_44 : vector<1x50xi32> to vector<900x50xi32>
    %broadcast_in_dim3A_46 = vector.broadcast %jit3A_43 : i32 to vector<900x50xi32>
    %select_n3A_47 = arith.select %eq3A_39, %broadcast_in_dim3A_45, %broadcast_in_dim3A_46 : vector<900x50xi1>, vector<900x50xi32>
    %reduce_sum3A_48 = arith.constant dense<0> : vector<900xi32>
    %reduce_sum3A_49 = vector.multi_reduction <add>, %select_n3A_47, %reduce_sum3A_48 [1] : vector<900x50xi32> to vector<900xi32>
    %broadcast_in_dim3A_50 = vector.shape_cast %reduce_sum3A_49 : vector<900xi32> to vector<900x1xi32>
    %sub3A = arith.constant 4096 : i32
    %sub3A_51 = vector.broadcast %sub3A : i32 to vector<900x1xi32>
    %sub3A_52 = arith.subi %broadcast_in_dim3A_50, %sub3A_51 : vector<900x1xi32>
    %iota3A_53 = tpu.iota {dimensions = array<i32: 1>} : vector<900x1203xi32>
    %eq3A_54 = vector.broadcast %sub3A_52 : vector<900x1xi32> to vector<900x1203xi32>
    %eq3A_55 = arith.cmpi eq, %iota3A_53, %eq3A_54 : vector<900x1203xi32>
    %reduce_max3A = arith.constant dense<0xFF800000> : vector<900xf32>
    %reduce_max3A_56 = vector.multi_reduction <maximumf>, %get3A_3, %reduce_max3A [1] : vector<900x1203xf32> to vector<900xf32>
    %broadcast_in_dim3A_57 = vector.shape_cast %reduce_max3A_56 : vector<900xf32> to vector<900x1xf32>
    %jit3A_58 = arith.constant 0.000000e+00 : f32
    %broadcast_in_dim3A_59 = vector.broadcast %jit3A_58 : f32 to vector<900x1203xf32>
    %select_n3A_60 = arith.select %eq3A_55, %get3A_3, %broadcast_in_dim3A_59 : vector<900x1203xi1>, vector<900x1203xf32>
    %reduce_sum3A_61 = arith.constant dense<0.000000e+00> : vector<900xf32>
    %reduce_sum3A_62 = vector.multi_reduction <add>, %select_n3A_60, %reduce_sum3A_61 [1] : vector<900x1203xf32> to vector<900xf32>
    %broadcast_in_dim3A_63 = vector.shape_cast %reduce_sum3A_62 : vector<900xf32> to vector<900x1xf32>
    %ge3A = arith.constant 0 : i32
    %ge3A_64 = vector.broadcast %ge3A : i32 to vector<900x1xi32>
    %ge3A_65 = arith.cmpi sge, %sub3A_52, %ge3A_64 : vector<900x1xi32>
    %lt3A = arith.constant 1203 : i32
    %lt3A_66 = vector.broadcast %lt3A : i32 to vector<900x1xi32>
    %lt3A_67 = arith.cmpi slt, %sub3A_52, %lt3A_66 : vector<900x1xi32>
    %and3A = arith.andi %ge3A_65, %lt3A_67 : vector<900x1xi1>
    %jit3A_68 = arith.constant 0.000000e+00 : f32
    %broadcast_in_dim3A_69 = vector.shape_cast %broadcast_in_dim3A_57 : vector<900x1xf32> to vector<900x1xf32>
    %broadcast_in_dim3A_70 = vector.broadcast %broadcast_in_dim3A_69 : vector<900x1xf32> to vector<900x50xf32>
    %broadcast_in_dim3A_71 = vector.broadcast %jit3A_68 : f32 to vector<900x50xf32>
    %select_n3A_72 = arith.select %eq3A_39, %broadcast_in_dim3A_70, %broadcast_in_dim3A_71 : vector<900x50xi1>, vector<900x50xf32>
    %reduce_sum3A_73 = arith.constant dense<0.000000e+00> : vector<50xf32>
    %reduce_sum3A_74 = vector.multi_reduction <add>, %select_n3A_72, %reduce_sum3A_73 [0] : vector<900x50xf32> to vector<50xf32>
    %broadcast_in_dim3A_75 = vector.shape_cast %reduce_sum3A_74 : vector<50xf32> to vector<1x50xf32>
    %jit3A_76 = arith.constant 1.000000e+09 : f32
    %broadcast_in_dim3A_77 = vector.broadcast %jit3A_76 : f32 to vector<900x1xf32>
    %select_n3A_78 = arith.select %and3A, %broadcast_in_dim3A_63, %broadcast_in_dim3A_77 : vector<900x1xi1>, vector<900x1xf32>
    %jit3A_79 = arith.constant 0.000000e+00 : f32
    %broadcast_in_dim3A_80 = vector.shape_cast %select_n3A_78 : vector<900x1xf32> to vector<900x1xf32>
    %broadcast_in_dim3A_81 = vector.broadcast %broadcast_in_dim3A_80 : vector<900x1xf32> to vector<900x50xf32>
    %broadcast_in_dim3A_82 = vector.broadcast %jit3A_79 : f32 to vector<900x50xf32>
    %select_n3A_83 = arith.select %eq3A_39, %broadcast_in_dim3A_81, %broadcast_in_dim3A_82 : vector<900x50xi1>, vector<900x50xf32>
    %reduce_sum3A_84 = arith.constant dense<0.000000e+00> : vector<50xf32>
    %reduce_sum3A_85 = vector.multi_reduction <add>, %select_n3A_83, %reduce_sum3A_84 [0] : vector<900x50xf32> to vector<50xf32>
    %broadcast_in_dim3A_86 = vector.shape_cast %reduce_sum3A_85 : vector<50xf32> to vector<1x50xf32>
    %iota3A_87 = tpu.iota {dimensions = array<i32: 1>} : vector<1x128xi32>
    %broadcast_in_dim3A_88 = arith.constant 0.000000e+00 : f32
    %broadcast_in_dim3A_89 = vector.broadcast %broadcast_in_dim3A_88 : f32 to vector<1x14xf32>
    %concatenate3A = tpu.concatenate %broadcast_in_dim3A_75, %broadcast_in_dim3A_89, %broadcast_in_dim3A_86, %broadcast_in_dim3A_89 in 1 : vector<1x50xf32>, vector<1x14xf32>, vector<1x50xf32>, vector<1x14xf32> -> vector<1x128xf32>
    %eq3A_90 = arith.constant 126 : i32
    %eq3A_91 = vector.broadcast %eq3A_90 : i32 to vector<1x128xi32>
    %eq3A_92 = arith.cmpi eq, %iota3A_87, %eq3A_91 : vector<1x128xi32>
    %jit3A_93 = arith.constant 0.000000e+00 : f32
    %broadcast_in_dim3A_94 = vector.broadcast %reduce_sum3A_30 : f32 to vector<1x128xf32>
    %broadcast_in_dim3A_95 = vector.broadcast %jit3A_93 : f32 to vector<1x128xf32>
    %select_n3A_96 = arith.select %eq3A_92, %broadcast_in_dim3A_94, %broadcast_in_dim3A_95 : vector<1x128xi1>, vector<1x128xf32>
    %add3A_97 = arith.addf %concatenate3A, %select_n3A_96 : vector<1x128xf32>
    %swap3A = arith.constant 0 : index
    %swap3A_98 = arith.constant 0 : index
    %swap3A_99 = arith.constant 0 : index
    %swap3A_100 = vector.load %arg5[%swap3A, %swap3A_98, %swap3A_99] : memref<1x1x128xf32, #tpu.memory_space<vmem>>, vector<1x1x128xf32>
    %swap3A_101 = vector.shape_cast %swap3A_100 : vector<1x1x128xf32> to vector<1x128xf32>
    %swap3A_102 = vector.shape_cast %add3A_97 : vector<1x128xf32> to vector<1x1x128xf32>
    tpu.vector_store %arg5[%swap3A, %swap3A_98, %swap3A_99], %swap3A_102 {strides = array<i32>} : memref<1x1x128xf32, #tpu.memory_space<vmem>>, vector<1x1x128xf32>,
    return
  }
  func.func @transform_0(%arg0: i32) -> (i32, i32, i32) {
    %c0_i32 = arith.constant 0 : i32
    %c0_i32_0 = arith.constant 0 : i32
    %c0_i32_1 = arith.constant 0 : i32
    return %arg0, %c0_i32, %c0_i32_0 : i32, i32, i32
  }
  func.func @transform_1(%arg0: i32) -> (i32, i32, i32) {
    %c0_i32 = arith.constant 0 : i32
    %c0_i32_0 = arith.constant 0 : i32
    %c0_i32_1 = arith.constant 0 : i32
    return %arg0, %c0_i32, %c0_i32_0 : i32, i32, i32
  }
  func.func @transform_2(%arg0: i32) -> (i32, i32, i32) {
    %c0_i32 = arith.constant 0 : i32
    %c0_i32_0 = arith.constant 0 : i32
    %c0_i32_1 = arith.constant 0 : i32
    return %arg0, %c0_i32, %c0_i32_0 : i32, i32, i32
  }
  func.func @transform_3(%arg0: i32) -> (i32, i32, i32) {
    %c0_i32 = arith.constant 0 : i32
    %c0_i32_0 = arith.constant 0 : i32
    %c0_i32_1 = arith.constant 0 : i32
    return %arg0, %c0_i32, %c0_i32_0 : i32, i32, i32
  }
  func.func @transform_4(%arg0: i32) -> (i32, i32, i32) {
    %c0_i32 = arith.constant 0 : i32
    %c0_i32_0 = arith.constant 0 : i32
    %c0_i32_1 = arith.constant 0 : i32
    return %arg0, %c0_i32, %c0_i32_0 : i32, i32, i32
  }
}

module attributes {stable_mosaic.version = 14 : i64} {
  func.func @_epi_body(%arg0: memref<32x128xf32, #tpu.memory_space<vmem>>, %arg1: memref<32x16xf32, #tpu.memory_space<vmem>>, %arg2: memref<1x128xf32, #tpu.memory_space<vmem>>) attributes {dimension_semantics = [], scalar_prefetch = 0 : i64, scratch_operands = 0 : i64, tpu.core_type = #tpu.core_type<tc>} {
    %get3A = arith.constant 0 : index
    %get3A_0 = arith.constant 0 : index
    %get3A_1 = vector.load %arg0[%get3A, %get3A_0] : memref<32x128xf32, #tpu.memory_space<vmem>>, vector<32x128xf32>
    %get3A_2 = arith.constant 0 : index
    %get3A_3 = arith.constant 0 : index
    %get3A_4 = vector.load %arg1[%get3A_2, %get3A_3] : memref<32x16xf32, #tpu.memory_space<vmem>>, vector<32x16xf32>
    %iota3A = tpu.iota {dimensions = array<i32: 1>} : vector<32x64xi32>
    %lt3A = arith.constant 50 : i32
    %lt3A_5 = vector.broadcast %lt3A : i32 to vector<32x64xi32>
    %lt3A_6 = arith.cmpi slt, %iota3A, %lt3A_5 : vector<32x64xi32>
    %slice3A = vector.extract_strided_slice %get3A_1 {offsets = [0, 0], sizes = [32, 64], strides = [1, 1]} : vector<32x128xf32> to vector<32x64xf32>
    %slice3A_7 = vector.extract_strided_slice %get3A_1 {offsets = [0, 64], sizes = [32, 64], strides = [1, 1]} : vector<32x128xf32> to vector<32x64xf32>
    %eq3A = arith.cmpf oeq, %slice3A_7, %slice3A : vector<32x64xf32>
    %and3A = arith.andi %lt3A_6, %eq3A : vector<32x64xi1>
    %jit3A = arith.constant 1.000000e+00 : f32
    %jit3A_8 = arith.constant 0.000000e+00 : f32
    %broadcast_in_dim3A = vector.broadcast %jit3A : f32 to vector<32x64xf32>
    %broadcast_in_dim3A_9 = vector.broadcast %jit3A_8 : f32 to vector<32x64xf32>
    %select_n3A = arith.select %and3A, %broadcast_in_dim3A, %broadcast_in_dim3A_9 : vector<32x64xi1>, vector<32x64xf32>
    %reduce_sum3A = vector.shape_cast %select_n3A : vector<32x64xf32> to vector<1x32x64xf32>
    %reduce_sum3A_10 = arith.constant dense<0.000000e+00> : vector<1xf32>
    %reduce_sum3A_11 = vector.multi_reduction <add>, %reduce_sum3A, %reduce_sum3A_10 [1, 2] : vector<1x32x64xf32> to vector<1xf32>
    %reduce_sum3A_12 = vector.shape_cast %reduce_sum3A_11 : vector<1xf32> to vector<1x1x1xf32>
    %reduce_sum3A_13 = vector.extract %reduce_sum3A_12[0, 0, 0] : f32 from vector<1x1x1xf32>
    %lt3A_14 = arith.constant 5.000000e+08 : f32
    %lt3A_15 = vector.broadcast %lt3A_14 : f32 to vector<32x64xf32>
    %lt3A_16 = arith.cmpf olt, %slice3A_7, %lt3A_15 : vector<32x64xf32>
    %and3A_17 = arith.andi %lt3A_6, %lt3A_16 : vector<32x64xi1>
    %neg3A = arith.constant 0.000000e+00 : f32
    %neg3A_18 = vector.broadcast %neg3A : f32 to vector<32x64xf32>
    %neg3A_19 = arith.subf %neg3A_18, %slice3A_7 : vector<32x64xf32>
    %exp3A = math.exp %neg3A_19 : vector<32x64xf32>
    %add3A = arith.constant 1.000000e+00 : f32
    %add3A_20 = vector.broadcast %add3A : f32 to vector<32x64xf32>
    %add3A_21 = arith.addf %add3A_20, %exp3A : vector<32x64xf32>
    %div3A = arith.constant 1.000000e+00 : f32
    %div3A_22 = vector.broadcast %div3A : f32 to vector<32x64xf32>
    %div3A_23 = arith.divf %div3A_22, %add3A_21 : vector<32x64xf32>
    %log3A = math.log %add3A_21 : vector<32x64xf32>
    %add3A_24 = arith.addf %slice3A_7, %log3A : vector<32x64xf32>
    %mul3A = arith.constant 7.500000e-01 : f32
    %mul3A_25 = vector.broadcast %mul3A : f32 to vector<32x64xf32>
    %mul3A_26 = arith.mulf %mul3A_25, %add3A_24 : vector<32x64xf32>
    %mul3A_27 = arith.mulf %mul3A_26, %div3A_23 : vector<32x64xf32>
    %mul3A_28 = arith.mulf %mul3A_27, %div3A_23 : vector<32x64xf32>
    %sub3A = arith.subf %add3A_24, %slice3A_7 : vector<32x64xf32>
    %mul3A_29 = arith.constant 2.500000e-01 : f32
    %mul3A_30 = vector.broadcast %mul3A_29 : f32 to vector<32x64xf32>
    %mul3A_31 = arith.mulf %mul3A_30, %sub3A : vector<32x64xf32>
    %sub3A_32 = arith.constant 1.000000e+00 : f32
    %sub3A_33 = vector.broadcast %sub3A_32 : f32 to vector<32x64xf32>
    %sub3A_34 = arith.subf %sub3A_33, %div3A_23 : vector<32x64xf32>
    %mul3A_35 = arith.mulf %mul3A_31, %sub3A_34 : vector<32x64xf32>
    %sub3A_36 = arith.constant 1.000000e+00 : f32
    %sub3A_37 = vector.broadcast %sub3A_36 : f32 to vector<32x64xf32>
    %sub3A_38 = arith.subf %sub3A_37, %div3A_23 : vector<32x64xf32>
    %mul3A_39 = arith.mulf %mul3A_35, %sub3A_38 : vector<32x64xf32>
    %sub3A_40 = arith.subf %mul3A_39, %mul3A_28 : vector<32x64xf32>
    %jit3A_41 = arith.constant 0.000000e+00 : f32
    %broadcast_in_dim3A_42 = vector.broadcast %jit3A_41 : f32 to vector<32x64xf32>
    %select_n3A_43 = arith.select %and3A_17, %sub3A_40, %broadcast_in_dim3A_42 : vector<32x64xi1>, vector<32x64xf32>
    %reduce_sum3A_44 = vector.shape_cast %select_n3A_43 : vector<32x64xf32> to vector<1x32x64xf32>
    %reduce_sum3A_45 = arith.constant dense<0.000000e+00> : vector<1xf32>
    %reduce_sum3A_46 = vector.multi_reduction <add>, %reduce_sum3A_44, %reduce_sum3A_45 [1, 2] : vector<1x32x64xf32> to vector<1xf32>
    %reduce_sum3A_47 = vector.shape_cast %reduce_sum3A_46 : vector<1xf32> to vector<1x1x1xf32>
    %reduce_sum3A_48 = vector.extract %reduce_sum3A_47[0, 0, 0] : f32 from vector<1x1x1xf32>
    %iota3A_49 = tpu.iota {dimensions = array<i32: 1>} : vector<32x128xi32>
    %eq3A_50 = arith.constant 126 : i32
    %eq3A_51 = vector.broadcast %eq3A_50 : i32 to vector<32x128xi32>
    %eq3A_52 = arith.cmpi eq, %iota3A_49, %eq3A_51 : vector<32x128xi32>
    %jit3A_53 = arith.constant 0.000000e+00 : f32
    %broadcast_in_dim3A_54 = vector.broadcast %jit3A_53 : f32 to vector<32x128xf32>
    %select_n3A_55 = arith.select %eq3A_52, %get3A_1, %broadcast_in_dim3A_54 : vector<32x128xi1>, vector<32x128xf32>
    %reduce_sum3A_56 = vector.shape_cast %select_n3A_55 : vector<32x128xf32> to vector<1x32x128xf32>
    %reduce_sum3A_57 = arith.constant dense<0.000000e+00> : vector<1xf32>
    %reduce_sum3A_58 = vector.multi_reduction <add>, %reduce_sum3A_56, %reduce_sum3A_57 [1, 2] : vector<1x32x128xf32> to vector<1xf32>
    %reduce_sum3A_59 = vector.shape_cast %reduce_sum3A_58 : vector<1xf32> to vector<1x1x1xf32>
    %reduce_sum3A_60 = vector.extract %reduce_sum3A_59[0, 0, 0] : f32 from vector<1x1x1xf32>
    %reduce_sum3A_61 = vector.shape_cast %get3A_4 : vector<32x16xf32> to vector<1x32x16xf32>
    %reduce_sum3A_62 = arith.constant dense<0.000000e+00> : vector<1xf32>
    %reduce_sum3A_63 = vector.multi_reduction <add>, %reduce_sum3A_61, %reduce_sum3A_62 [1, 2] : vector<1x32x16xf32> to vector<1xf32>
    %reduce_sum3A_64 = vector.shape_cast %reduce_sum3A_63 : vector<1xf32> to vector<1x1x1xf32>
    %reduce_sum3A_65 = vector.extract %reduce_sum3A_64[0, 0, 0] : f32 from vector<1x1x1xf32>
    %mul3A_66 = arith.constant 7.500000e-01 : f32
    %mul3A_67 = arith.mulf %mul3A_66, %reduce_sum3A_60 : f32
    %add3A_68 = arith.addf %mul3A_67, %reduce_sum3A_48 : f32
    %div3A_69 = arith.constant 1.600000e+03 : f32
    %div3A_70 = arith.divf %add3A_68, %div3A_69 : f32
    %mul3A_71 = arith.constant 1.000000e+02 : f32
    %mul3A_72 = arith.mulf %mul3A_71, %reduce_sum3A_13 : f32
    %div3A_73 = arith.constant 1.600000e+03 : f32
    %div3A_74 = arith.divf %mul3A_72, %div3A_73 : f32
    %sub3A_75 = arith.constant 1.000000e+02 : f32
    %sub3A_76 = arith.subf %sub3A_75, %div3A_74 : f32
    %div3A_77 = arith.constant 1.600000e+03 : f32
    %div3A_78 = arith.divf %reduce_sum3A_65, %div3A_77 : f32
    %iota3A_79 = tpu.iota {dimensions = array<i32: 1>} : vector<1x128xi32>
    %eq3A_80 = arith.constant 0 : i32
    %eq3A_81 = vector.broadcast %eq3A_80 : i32 to vector<1x128xi32>
    %eq3A_82 = arith.cmpi eq, %iota3A_79, %eq3A_81 : vector<1x128xi32>
    %jit3A_83 = arith.constant 0.000000e+00 : f32
    %broadcast_in_dim3A_84 = vector.broadcast %div3A_70 : f32 to vector<1x128xf32>
    %broadcast_in_dim3A_85 = vector.broadcast %jit3A_83 : f32 to vector<1x128xf32>
    %select_n3A_86 = arith.select %eq3A_82, %broadcast_in_dim3A_84, %broadcast_in_dim3A_85 : vector<1x128xi1>, vector<1x128xf32>
    %eq3A_87 = arith.constant 1 : i32
    %eq3A_88 = vector.broadcast %eq3A_87 : i32 to vector<1x128xi32>
    %eq3A_89 = arith.cmpi eq, %iota3A_79, %eq3A_88 : vector<1x128xi32>
    %jit3A_90 = arith.constant 0.000000e+00 : f32
    %broadcast_in_dim3A_91 = vector.broadcast %sub3A_76 : f32 to vector<1x128xf32>
    %broadcast_in_dim3A_92 = vector.broadcast %jit3A_90 : f32 to vector<1x128xf32>
    %select_n3A_93 = arith.select %eq3A_89, %broadcast_in_dim3A_91, %broadcast_in_dim3A_92 : vector<1x128xi1>, vector<1x128xf32>
    %add3A_94 = arith.addf %select_n3A_86, %select_n3A_93 : vector<1x128xf32>
    %eq3A_95 = arith.constant 2 : i32
    %eq3A_96 = vector.broadcast %eq3A_95 : i32 to vector<1x128xi32>
    %eq3A_97 = arith.cmpi eq, %iota3A_79, %eq3A_96 : vector<1x128xi32>
    %jit3A_98 = arith.constant 0.000000e+00 : f32
    %broadcast_in_dim3A_99 = vector.broadcast %div3A_78 : f32 to vector<1x128xf32>
    %broadcast_in_dim3A_100 = vector.broadcast %jit3A_98 : f32 to vector<1x128xf32>
    %select_n3A_101 = arith.select %eq3A_97, %broadcast_in_dim3A_99, %broadcast_in_dim3A_100 : vector<1x128xi1>, vector<1x128xf32>
    %add3A_102 = arith.addf %add3A_94, %select_n3A_101 : vector<1x128xf32>
    %swap3A = arith.constant 0 : index
    %swap3A_103 = arith.constant 0 : index
    %swap3A_104 = vector.load %arg2[%swap3A, %swap3A_103] : memref<1x128xf32, #tpu.memory_space<vmem>>, vector<1x128xf32>
    tpu.vector_store %arg2[%swap3A, %swap3A_103], %add3A_102 {strides = array<i32>} : memref<1x128xf32, #tpu.memory_space<vmem>>, vector<1x128xf32>,
    return
  }
}

</mosaic_0001>

<sc_bundles>
// kernel: kernel.5.cloned.1.call-start
scs
__scs_entry_jumppad:
0x0: {  	(pc) =	sbr.rel $0x88, $3  }
0x1: {  	(tag) =	ssettag $0x0;
	lr =	simm.s32 $0x1  }
0x2: {  	[smem:$0x3F9B] =	sst lr;
	_ =	strace $0xD0000000  }
0x3: {  	_ = 	snop  }
0x4: {  	_ = 	snop  }
0x5: {  	_ = 	snop  }
0x6: {  	_ = 	snop  }
0x7: {  	_ = 	snop  }
__scs_overlays_trampoline_lowered:
0x8: {  	[smem:$0x3FAA] =	sst s0  }
0x9: {  	[smem:$0x3FAB] =	sst s1  }
0xa: {  	[smem:$0x3FAC] =	sst s2  }
0xb: {  	[smem:$0x3FAD] =	sst s3  }
0xc: {  	[smem:$0x3FAE] =	sst s4  }
0xd: {  	[smem:$0x3FAF] =	sst s5  }
0xe: {  	[smem:$0x3FB0] =	sst s6  }
0xf: {  	[smem:$0x3FB1] =	sst s7  }
0x10: {  	[smem:$0x3FB2] =	sst s8  }
0x11: {  	[smem:$0x3FB3] =	sst s9;
	s0 =	simm.s32 @!p0 $0x0  }
0x12: {  	s1 =	sld [smem:$0x3F99];
	s0 =	simm.s32 @p0 $0x1  }
0x13: {  	[smem:$0x3FB4] =	sst s0;
	s0 =	simm.s32 @!p1 $0x0  }
0x14: {  	s2 =	sld [smem:$0x3F98];
	s0 =	simm.s32 @p1 $0x1  }
0x15: {  	[smem:$0x3FB5] =	sst s0;
	s0 =	simm.s32 @!p2 $0x0  }
0x16: {  	s3 =	sld [smem:$0x3FDB];
	s0 =	simm.s32 @p2 $0x1  }
0x17: {  	s4 =	simm.s32 $0x1BF5;
	[smem:$0x3FB7] =	sst s0  }
0x18: {  	s0 =	sld [smem:$0x3F9A];
	_ =	swait.ge [sflag:s4], $0x0  }
0x19: {  	s7 =	sld [smem:$0x3F9B]  }
0x1a: {  	s8 =	sadd.s32 $0xFFFFE003, lr  }
0x1b: {  	s9 =	sadd.s32 $0xFFFFFEF7, lr;
	s5 =	simm.s32 $0xFFFFFFFF;
	p2 =	slt.u32 s8, $0xFFFFF086  }
0x1c: {  	p1 =	slt.u32 s9, $0xF7A;
	s5 =	simm.s32 @!p2 $0x0  }
0x1d: {  	s5 =	simm.s32 @p1 $0x1;
	p0 =	seq.s32 s7, s2  }
0x1e: {  	s7 =	smul.u32 @!p0 $0xF7A, s2;
	p2 =	seq.s32 @!p0 s5, $0x0  }
0x1f: {  	s9 =	smul.u32 $0xF7A, s1;
	s8 =	simm.s32 @!p0 $0x1BF5;
	p2 =	por !p2, p0  }
0x20: {  	[sflag:s8] =	ssyncset.s32 @!p0 $0xFFFFF086;
	s6 =	sadd.s32 @!p0 s3, s7;
	s7 =	simm.s32 @!p0 $0x108  }
0x21: {  	s3 =	sadd.s32 s3, s9;
	s6 =	sadd.s32 @!p0 $0x88, s6;
	s7 =	simm.s32 @p2 $0x1082  }
0x22: {  	[simem:s7], [sflag:s8] =	dma.local @!p0 [hbm:s6], $0xF7A  }
0x23: {  	s9 =	sor.u32 $0xD0000000, s2;
	s6 =	simm.s32 $0x108;
	_ =	swait.ge @!p0 [sflag:s8], $0x0  }
0x24: {  	s3 =	sadd.s32 $0x88, s3;
	s6 =	simm.s32 @!p1 $0x1082;
	[sflag:s4] =	ssyncset.s32 $0xFFFFF086  }
0x25: {  	[simem:s6], [sflag:s4] =	dma.local [hbm:s3], $0xF7A  }
0x26: {  	[smem:$0x3F9B] =	sst s1;
	(tag) =	ssettag s2;
	_ =	strace s9  }
0x27: {  	s1 =	sld [smem:$0x3FAB]  }
0x28: {  	s2 =	sld [smem:$0x3FAC]  }
0x29: {  	s4 =	sld [smem:$0x3FAE]  }
0x2a: {  	p0 =	seq.s32 s5, $0x0;
	s5 =	sld [smem:$0x3FAF]  }
0x2b: {  	s6 =	sld [smem:$0x3FB0]  }
0x2c: {  	s7 =	sld [smem:$0x3FB1]  }
0x2d: {  	s3 =	simm.s32 $0x108;
	s8 =	sld [smem:$0x3FB2]  }
0x2e: {  	s3 =	simm.s32 @!p0 $0x1082;
	s9 =	sld [smem:$0x3FB3]  }
0x2f: {  	lr =	sadd.s32 s0, s3;
	s0 =	sld [smem:$0x3FAA]  }
0x30: {  	s3 =	sld [smem:$0x3FAD]  }
0x31: {  	[smem:$0x3FB6] =	sst s10  }
0x32: {  	s10 =	sld [smem:$0x3FB4];
	_ =	sdelay $0x3  }
0x33: {  	p0 =	seq.s32 s10, $0x1;
	s10 =	sld [smem:$0x3FB6];
	_ =	sdelay $0x3  }
0x34: {  	[smem:$0x3FB6] =	sst s10  }
0x35: {  	s10 =	sld [smem:$0x3FB5];
	_ =	sdelay $0x3  }
0x36: {  	p1 =	seq.s32 s10, $0x1;
	s10 =	sld [smem:$0x3FB6];
	_ =	sdelay $0x3  }
0x37: {  	[smem:$0x3FB6] =	sst s10  }
0x38: {  	s10 =	sld [smem:$0x3FB7]  }
0x39: {  	_ = 	snop;
	(pc) =	sbr.ind lr, $3  }
0x3a: {  	_ = 	snop  }
0x3b: {  	_ = 	snop  }
0x3c: {  	p2 =	seq.s32 s10, $0x1;
	s10 =	sld [smem:$0x3FB6]  }
0x3d: {  	_ =	shalt  }
0x3e: {  	_ =	shalt  }
0x3f: {  	_ =	shalt  }
0x40: {  	_ =	shalt  }
0x41: {  	_ =	shalt  }
0x42: {  	_ =	shalt  }
0x43: {  	_ =	shalt  }
0x44: {  	_ =	shalt  }
0x45: {  	_ =	shalt  }
0x46: {  	_ =	shalt  }
0x47: {  	_ =	shalt  }
0x48: {  	_ =	shalt  }
0x49: {  	_ =	shalt  }
0x4a: {  	_ =	shalt  }
0x4b: {  	_ =	shalt  }
0x4c: {  	_ =	shalt  }
0x4d: {  	_ =	shalt  }
0x4e: {  	_ =	shalt  }
0x4f: {  	_ =	shalt  }
0x50: {  	_ =	shalt  }
0x51: {  	_ =	shalt  }
0x52: {  	_ =	shalt  }
0x53: {  	_ =	shalt  }
0x54: {  	_ =	shalt  }
0x55: {  	_ =	shalt  }
0x56: {  	_ =	shalt  }
0x57: {  	_ =	shalt  }
0x58: {  	_ =	shalt  }
0x59: {  	_ =	shalt  }
0x5a: {  	_ =	shalt  }
0x5b: {  	_ =	shalt  }
0x5c: {  	_ =	shalt  }
0x5d: {  	_ =	shalt  }
0x5e: {  	_ =	shalt  }
0x5f: {  	_ =	shalt  }
0x60: {  	_ =	shalt  }
0x61: {  	_ =	shalt  }
0x62: {  	_ =	shalt  }
0x63: {  	_ =	shalt  }
0x64: {  	_ =	shalt  }
0x65: {  	_ =	shalt  }
0x66: {  	_ =	shalt  }
0x67: {  	_ =	shalt  }
0x68: {  	_ =	shalt  }
0x69: {  	_ =	shalt  }
0x6a: {  	_ =	shalt  }
0x6b: {  	_ =	shalt  }
0x6c: {  	_ =	shalt  }
0x6d: {  	_ =	shalt  }
0x6e: {  	_ =	shalt  }
0x6f: {  	_ =	shalt  }
0x70: {  	_ =	shalt  }
0x71: {  	_ =	shalt  }
0x72: {  	_ =	shalt  }
0x73: {  	_ =	shalt  }
0x74: {  	_ =	shalt  }
0x75: {  	_ =	shalt  }
0x76: {  	_ =	shalt  }
0x77: {  	_ =	shalt  }
0x78: {  	_ =	shalt  }
0x79: {  	_ =	shalt  }
0x7a: {  	_ =	shalt  }
0x7b: {  	_ =	shalt  }
0x7c: {  	_ =	shalt  }
0x7d: {  	_ =	shalt  }
0x7e: {  	_ =	shalt  }
0x7f: {  	_ =	shalt  }
0x80: {  	_ =	shalt  }
0x81: {  	_ =	shalt  }
0x82: {  	_ =	shalt  }
0x83: {  	_ =	shalt  }
0x84: {  	_ =	shalt  }
0x85: {  	_ =	shalt  }
0x86: {  	_ =	shalt  }
0x87: {  	_ =	shalt  }
.Lfunc_end0:
.L_simem_size_0:
called_computation_lowered:
.L_overlay_start_0:
0x88: {  	s2 =	sld [smem:$0x3FD9]  }
0x89: {  	s3 =	sld [smem:$0x3FFE];
	_ =	sdelay $0x1  }
0x8a: {  	s1 =	srdreg.scid  }
0x8b: {  	s0 =	sand.u32 $0x1, s1  }
0x8c: {  	s16 =	sshll.u32 s0, $0xA;
	s2 =	sadd.s32 s3, s2  }
0x8d: {  	s2 =	sadd.s32 s2, s16  }
0x8e: {  	[smem:$0x3FC2] =	sst s2  }
0x8f: {  	_ = 	snop  }
0x90: {  	(tm) =	ssettm $0x1  }
0x91: {  	s17 =	sld [smem:$0x3FFB];
	_ =	sdelay $0x3  }
0x92: {  	_ =	strace s17  }
0x93: {  	s2 =	sld [smem:$0x3FFC];
	_ =	sdelay $0x3  }
0x94: {  	_ =	strace s2  }
0x95: {  	s2 =	sld [smem:$0x3FFD];
	_ =	sdelay $0x3  }
0x96: {  	_ =	strace s2  }
0x97: {  	_ =	strace $0x8FFFFFFF  }
0x98: {  	s18 =	sld [smem:$0x3FDB];
	_ =	sdelay $0x1  }
0x99: {  	s19 =	simm.s32 $_scs_section_size  }
0x9a: {  	s4 =	simm.s32 $_size__tile_overlayer_lowered;
	s5 =	simm.s32 $_tile_overlayer_lowered  }
0x9b: {  	s22 =	simm.s32 $0x1BFF;
	s21 =	sshll.u32 s5, $0x1;
	s2 =	sadd.s32 s19, s18  }
0x9c: {  	s6 =	simm.s32 $0x0;
	s20 =	sshll.u32 s4, $0x1;
	s4 =	sadd.s32 s21, s2  }
0x9d: {  	[timem:s6], [sflag:s22] =	dma.local [hbm:s4], s20  }
0x9e: {  	_ =	swait.ge [sflag:s22], s20  }
0x9f: {  	s3 =	ssub.s32 $0x0, s20;
	[sflag:s22] =	ssyncset.done $0x0  }
0xa0: {  	[sflag:s22] =	ssyncadd.s32 s3;
	_ =	sdelay $0x1  }
0xa1: {  	s23 =	simm.s32 $0x1B8B  }
0xa2: {  	_ =	swait.ge [sflag:s23], $0x1  }
0xa3: {  	[sflag:s23] =	ssyncset.done $0x0  }
0xa4: {  	s25 =	simm.s32 $0x1B8E;
	s24 =	sld [smem:$0x3FFE];
	[sflag:s23] =	ssyncadd.s32 $0xFFFFFFFF  }
0xa5: {  	s26 =	simm.s32 $execute0_lowered;
	[smem:$0x3FD2] =	sst s25  }
0xa6: {  	s4 =	sshll.u32 s26, $0x1;
	_ =	strace $0x80000046;
	[dreg:$0x1] =	wrdreg $0xFFFFFFFF  }
0xa7: {  	s28 =	simm.s32 $_size_execute0_lowered;
	s2 =	sadd.s32 s2, s4;
	[dreg:$0x0] =	wrdreg $0x0  }
0xa8: {  	s4 =	sshll.u32 s28, $0x1;
	[dreg:$0x2] =	wrdreg s2  }
0xa9: {  	[dreg:$0x3] =	wrdreg s4  }
0xaa: {  	[dreg:$0x4] =	wrdreg $0xC0  }
0xab: {  	_ =	task [dreg:s6], $0x5FFFF  }
0xac: {  	[dreg:$0x1] =	wrdreg $0xFFFFFFFF  }
0xad: {  	[dreg:$0x0] =	wrdreg $0x60  }
0xae: {  	[dreg:$0x2] =	wrdreg s24  }
0xaf: {  	[dreg:$0x3] =	wrdreg $0x9  }
0xb0: {  	_ =	task.clear_ibuf [dreg:s6], $0x4FFFF;
	_ =	strace $0x90000046  }
0xb1: {  	s29 =	simm.s32 $0x9;
	_ =	strace $0x80000048  }
0xb2: {  	_ =	swait.ge [sflag:s29], $0x1  }
0xb3: {  	[sflag:s29] =	ssyncadd.s32 $0xFFFFFFFF  }
0xb4: {  	_ =	strace $0x90000048  }
0xb5: {  	_ =	sfence  }
0xb6: {  	s30 =	sld [smem:$0x0];
	_ =	sdelay $0x2  }
0xb7: {  	s31 =	sshll.u32 s1, $0xD;
	s1 =	sshrl.u32 s1, $0x2  }
0xb8: {  	s3 =	sand.u32 $0x4000, s31;
	s1 =	sadd.s32 s1, s30  }
0xb9: {  	s0 =	sor.u32 s3, s0;
	s1 =	sshll.u32 s1, $0x11  }
0xba: {  	s0 =	sor.u32 s1, s0  }
0xbb: {  	s0 =	sadd.s32 $0x8F2B, s0  }
0xbc: {  	[sflag:s0] =	ssyncadd.remote.s32 $0x1  }
0xbd: {  	_ =	sfence.sel $0xFFFF  }
0xbe: {  	[dreg:$0x0] =	wrdreg $0xFFFFFFFF;
	(pc) =	sbr.abs _section_cstart, $3  }
0xbf: {  	[dreg:$0x1] =	wrdreg $0xFFFFFFFF  }
0xc0: {  	_ =	task.clear_ibuf [dreg:s6], $0x2FFFF;
	_ =	strace $0x9FFFFFFF  }
0xc1: {  	(tm) =	ssettm $0x7FFFFFFF  }
tec
execute0_lowered:
.L_overlay_start_1:
0x0: {  	(tag) =	ssettag $0x1  }
0x1: {  	s1 =	srdreg.scid;
	s0 =	stileid.u32  }
0x2: {  	s3 =	rddreg [dreg:$0x0];
	s8 =	sand.u32 $0x1, s1;
	s2 =	sshll.u32 s0, $0x1  }
0x3: {  	s1 =	rddreg [dreg:$0x1];
	s4 =	sor.u32 s8, s2  }
0x4: {  	s2 =	simm.s32 $0x0;
	s5 =	smul.u32 $0x3880, s4;
	s6 =	sshll.u32 s4, $0x4  }
0x5: {  	[smem:$0x7FF] =	sst s2;
	s11 =	sadd.s32 s6, s3  }
0x6: {  	_ =	strace $0x80000047;
	s9 =	sadd.s32 s5, s3;
	s5 =	sadd.s32 $0x71E00, s11  }
0x7: {  	[tilespmem:s2], [sflag:$0x1] =	stream.linear.gather [hbm4b:s5+s2], $0x80, $0x38;
	[tilespmem:$0x1E580] =	vst v63  }
0x8: {  	s7 =	simm.s32 $0x80;
	s4 =	sshll.u32 s4, $0xA;
	s6 =	sadd.s32 $0x72000, s11  }
0x9: {  	[tilespmem:s7], [sflag:$0x1] =	stream.linear.gather [hbm4b:s6+s2], $0x80, $0x38;
	[tilespmem:$0x1E580] =	vst v63  }
0xa: {  	s4 =	sadd.s32 s4, s3;
	s3 =	simm.s32 $0x100;
	s9 =	sadd.s32 $0xE00, s9  }
0xb: {  	[tilespmem:s3], [sflag:$0x1] =	stream.linear.gather [hbm4b:s9+s2], $0x1C200, $0x38;
	[tilespmem:$0x1E580] =	vst v63  }
0xc: {  	s12 =	simm.s32 $0x1;
	s10 =	sadd.s32 $0x72200, s4;
	s4 =	simm.s32 $0x1C500  }
0xd: {  	[tilespmem:s4], [sflag:$0x1] =	stream.linear.gather [hbm4b:s10+s2], $0x2000, $0x38;
	[tilespmem:$0x1E580] =	vst v63  }
0xe: {  	_ =	swait.ge [sflag:s12], $0x80  }
0xf: {  	[sflag:s12] =	ssyncset.done $0x0  }
0x10: {  	[sflag:s12] =	ssyncadd.s32 $0xFFFFFF80  }
0x11: {  	_ =	swait.ge [sflag:s12], $0x80  }
0x12: {  	[sflag:s12] =	ssyncset.done $0x0  }
0x13: {  	[sflag:s12] =	ssyncadd.s32 $0xFFFFFF80  }
0x14: {  	_ =	swait.ge [sflag:s12], $0x1C200  }
0x15: {  	[sflag:s12] =	ssyncset.done $0x0  }
0x16: {  	[sflag:s12] =	ssyncadd.s32 $0xFFFE3E00  }
0x17: {  	_ =	swait.ge [sflag:s12], $0x2000  }
0x18: {  	[sflag:s12] =	ssyncset.done $0x0  }
0x19: {  	[sflag:s12] =	ssyncadd.s32 $0xFFFFE000  }
0x1a: {  	v0 =	vld [tilespmem:$0x10]  }
0x1b: {  	v1 =	vld [tilespmem:$0xA0]  }
0x1c: {  	v3 =	vld [tilespmem:$0x80]  }
0x1d: {  	s8 =	ssub.s32 $0x2, s8;
	v6 =	vld [tilespmem:$0x0]  }
0x1e: {  	s13 =	sshrl.u32 s8, $0x1;
	v7 =	vld [tilespmem:$0x90]  }
0x1f: {  	s8 =	ssub.s32 s8, s13;
	v13 =	vld [tilespmem:$0x30];
	v0 =	vshll.u32 v0, $0x7  }
0x20: {  	s14 =	smax.u32 s8, $0x1;
	v2 =	vld [tilespmem:$0x20];
	v11 =	vshll.u32 v1, $0x7  }
0x21: {  	p0 =	sne.s32 s14, $0x1;
	v15 =	vor.u32 $0x1, v11  }
.Ltmp0:
0x22: {  	v10 =	vshll.u32 v3, $0x7;
	(pc) =	sbr.rel @!p0 .LBB2_2-.Ltmp0, $4  }
0x23: {  	vm0 =	vmmov $0x3;
	v4 =	vld [tilespmem:$0xB0];
	v12 =	vshll.u32 v6, $0x7  }
0x24: {  	v9 =	vshll.u32 v7, $0x7;
	v6 =	vshll.u32 v13, $0x7;
	v13 =	vor.u32 $0x1, v12;
	v1 =	vld.idx.msk [tilespmem:v0+s4+$0x0], $0xffff  }
0x25: {  	s13 =	simm.s32 $0x1E500;
	v2 =	vshll.u32 v2, $0x7;
	v5 =	vor.u32 $0x1, v0;
	v14 =	vor.u32 $0x1, v9;
	v0 =	vld.idx.msk [tilespmem:v11+s3+$0x0], $0xffff  }
0x26: {  	s8 =	sadd.s32 $0x7A200, s11;
	s11 =	simm.s32 $0x2;
	s14 =	sadd.s32 $0xFFFFFFFF, s14;
	v8 =	vor.u32 $0x1, v2;
	v3 =	vor.u32 $0x1, v10;
	v11 =	vor.u32 $0x1, v6;
	v7 =	vld.idx.msk [tilespmem:v15+s3+$0x0], $0xffff  }
.LBB2_1:
0x27: {  	p0 =	sne.s32 s14, $0x1;
	s14 =	sadd.s32 $0xFFFFFFFF, s14;
	v10 =	vld.idx.msk [tilespmem:v10+s3+$0x0], $0xffff  }
0x28: {  	v12 =	vld.idx.msk [tilespmem:v12+s4+$0x0], $0xffff  }
0x29: {  	v13 =	vld.idx.msk [tilespmem:v13+s4+$0x0], $0xffff  }
0x2a: {  	v14 =	vld.idx.msk [tilespmem:v14+s3+$0x0], $0xffff  }
0x2b: {  	v8 =	vld.idx.msk [tilespmem:v8+s4+$0x0], $0xffff  }
0x2c: {  	v5 =	vld.idx.msk [tilespmem:v5+s4+$0x0], $0xffff  }
0x2d: {  	v4 =	vshll.u32 v4, $0x7;
	v9 =	vld.idx.msk [tilespmem:v9+s3+$0x0], $0xffff  }
0x2e: {  	v10 =	vsub.f32 v10, v12;
	v12 =	vor.u32 $0x1, v4;
	v2 =	vld.idx.msk [tilespmem:v2+s4+$0x0], $0xffff  }
0x2f: {  	v11 =	vld.idx.msk [tilespmem:v11+s4+$0x0], $0xffff  }
0x30: {  	v3 =	vld.idx.msk [tilespmem:v3+s3+$0x0], $0xffff  }
0x31: {  	v7 =	vsub.f32 v7, v8;
	v6 =	vld.idx.msk [tilespmem:v6+s4+$0x0], $0xffff  }
0x32: {  	v5 =	vsub.f32 v14, v5;
	v4 =	vld.idx.msk [tilespmem:v4+s3+$0x0], $0xffff  }
0x33: {  	v1 =	vsub.f32 v9, v1;
	v7 =	vand.u32 $0x7FFFFFFF, v7;
	v8 =	vld.idx.msk [tilespmem:v12+s3+$0x0], $0xffff  }
0x34: {  	v5 =	vand.u32 $0x7FFFFFFF, v5;
	v0 =	vsub.f32 v0, v2;
	_ =	sdelay $0x1  }
0x35: {  	v2 =	vsub.f32 v3, v13  }
0x36: {  	v1 =	vand.u32 $0x7FFFFFFF, v1;
	v3 =	vand.u32 $0x7FFFFFFF, v10  }
0x37: {  	v1 =	vadd.f32 v5, v1;
	v2 =	vand.u32 $0x7FFFFFFF, v2;
	v4 =	vsub.f32 v4, v6  }
0x38: {  	v2 =	vadd.f32 v2, v3;
	v3 =	vsub.f32 v8, v11  }
0x39: {  	v0 =	vand.u32 $0x7FFFFFFF, v0;
	v4 =	vand.u32 $0x7FFFFFFF, v4  }
0x3a: {  	v0 =	vadd.f32 v7, v0;
	v1 =	vadd.f32 v1, v2;
	v2 =	vand.u32 $0x7FFFFFFF, v3  }
0x3b: {  	v2 =	vadd.f32 v2, v4  }
0x3c: {  	v0 =	vadd.f32 v0, v1  }
0x3d: {  	v1 =	vnsel vm0, $0x0, v2  }
0x3e: {  	v0 =	vadd.f32 v1, v0;
	_ =	sdelay $0x1  }
0x3f: {  	[tilespmem:$0x1E500] =	vst v0  }
0x40: {  	[hbm4b:s8+s2] =	stream.linear.scatter [tilespmem:s13], [sflag:$0x2], $0x80, $0x38;
	[tilespmem:$0x1E580] =	vst v63  }
0x41: {  	_ =	swait.ge [sflag:s11], $0x80  }
0x42: {  	[sflag:s11] =	ssyncset.done $0x0  }
0x43: {  	[sflag:s11] =	ssyncadd.s32 $0xFFFFFF80  }
0x44: {  	[tilespmem:s2], [sflag:$0x1] =	stream.linear.gather [hbm4b:s5+s2], $0x80, $0x38;
	[tilespmem:$0x1E580] =	vst v63  }
0x45: {  	_ = 	snop  }
0x46: {  	[tilespmem:s7], [sflag:$0x1] =	stream.linear.gather [hbm4b:s6+s2], $0x80, $0x38;
	[tilespmem:$0x1E580] =	vst v63  }
0x47: {  	_ = 	snop  }
0x48: {  	[tilespmem:s3], [sflag:$0x1] =	stream.linear.gather [hbm4b:s9+s2], $0x1C200, $0x38;
	[tilespmem:$0x1E580] =	vst v63  }
0x49: {  	_ = 	snop  }
0x4a: {  	[tilespmem:s4], [sflag:$0x1] =	stream.linear.gather [hbm4b:s10+s2], $0x2000, $0x38;
	[tilespmem:$0x1E580] =	vst v63  }
0x4b: {  	_ =	swait.ge [sflag:s12], $0x80  }
0x4c: {  	[sflag:s12] =	ssyncset.done $0x0  }
0x4d: {  	[sflag:s12] =	ssyncadd.s32 $0xFFFFFF80  }
0x4e: {  	_ =	swait.ge [sflag:s12], $0x80  }
0x4f: {  	[sflag:s12] =	ssyncset.done $0x0  }
0x50: {  	[sflag:s12] =	ssyncadd.s32 $0xFFFFFF80  }
0x51: {  	_ =	swait.ge [sflag:s12], $0x1C200  }
0x52: {  	[sflag:s12] =	ssyncset.done $0x0  }
0x53: {  	[sflag:s12] =	ssyncadd.s32 $0xFFFE3E00  }
0x54: {  	_ =	swait.ge [sflag:s12], $0x2000  }
0x55: {  	[sflag:s12] =	ssyncset.done $0x0  }
0x56: {  	[sflag:s12] =	ssyncadd.s32 $0xFFFFE000  }
0x57: {  	v0 =	vld [tilespmem:$0x10]  }
0x58: {  	v1 =	vld [tilespmem:$0xA0]  }
0x59: {  	v2 =	vld [tilespmem:$0x20]  }
0x5a: {  	v3 =	vld [tilespmem:$0x80]  }
0x5b: {  	v6 =	vld [tilespmem:$0x0]  }
0x5c: {  	v7 =	vld [tilespmem:$0x90];
	v0 =	vshll.u32 v0, $0x7  }
0x5d: {  	v5 =	vor.u32 $0x1, v0;
	v11 =	vshll.u32 v1, $0x7;
	v15 =	vld [tilespmem:$0x30]  }
0x5e: {  	v16 =	vor.u32 $0x1, v11;
	v2 =	vshll.u32 v2, $0x7;
	v4 =	vld [tilespmem:$0xB0]  }
.Ltmp1:
0x5f: {  	v10 =	vshll.u32 v3, $0x7;
	v8 =	vor.u32 $0x1, v2;
	(pc) =	sbr.rel @p0 .LBB2_1-.Ltmp1, $4  }
0x60: {  	v3 =	vor.u32 $0x1, v10;
	v12 =	vshll.u32 v6, $0x7  }
0x61: {  	v13 =	vor.u32 $0x1, v12;
	v9 =	vshll.u32 v7, $0x7;
	v1 =	vld.idx.msk [tilespmem:v0+s4+$0x0], $0xffff  }
0x62: {  	v14 =	vor.u32 $0x1, v9;
	v0 =	vld.idx.msk [tilespmem:v11+s3+$0x0], $0xffff;
	v6 =	vshll.u32 v15, $0x7  }
0x63: {  	v7 =	vld.idx.msk [tilespmem:v16+s3+$0x0], $0xffff;
	v11 =	vor.u32 $0x1, v6  }
.LBB2_2:
0x64: {  	_ =	sdelay $0x3  }
0x65: {  	v10 =	vld.idx.msk [tilespmem:v10+s3+$0x0], $0xffff  }
0x66: {  	v12 =	vld.idx.msk [tilespmem:v12+s4+$0x0], $0xffff  }
0x67: {  	v13 =	vld.idx.msk [tilespmem:v13+s4+$0x0], $0xffff  }
0x68: {  	v14 =	vld.idx.msk [tilespmem:v14+s3+$0x0], $0xffff  }
0x69: {  	v8 =	vld.idx.msk [tilespmem:v8+s4+$0x0], $0xffff  }
0x6a: {  	v5 =	vld.idx.msk [tilespmem:v5+s4+$0x0], $0xffff  }
0x6b: {  	v9 =	vld.idx.msk [tilespmem:v9+s3+$0x0], $0xffff;
	v4 =	vshll.u32 v4, $0x7  }
0x6c: {  	v2 =	vld.idx.msk [tilespmem:v2+s4+$0x0], $0xffff;
	v15 =	vor.u32 $0x1, v4  }
0x6d: {  	v3 =	vld.idx.msk [tilespmem:v3+s3+$0x0], $0xffff  }
0x6e: {  	v11 =	vld.idx.msk [tilespmem:v11+s4+$0x0], $0xffff  }
0x6f: {  	v6 =	vld.idx.msk [tilespmem:v6+s4+$0x0], $0xffff  }
0x70: {  	v4 =	vld.idx.msk [tilespmem:v4+s3+$0x0], $0xffff  }
0x71: {  	v5 =	vsub.f32 v14, v5;
	v10 =	vsub.f32 v10, v12;
	v58 =	vld.idx.msk [tilespmem:v15+s3+$0x0], $0xffff  }
0x72: {  	v1 =	vsub.f32 v9, v1;
	v3 =	vsub.f32 v3, v13  }
0x73: {  	v7 =	vsub.f32 v7, v8;
	v0 =	vsub.f32 v0, v2;
	v5 =	vand.u32 $0x7FFFFFFF, v5  }
0x74: {  	v59 =	vand.u32 $0x7FFFFFFF, v10;
	v1 =	vand.u32 $0x7FFFFFFF, v1;
	v3 =	vand.u32 $0x7FFFFFFF, v3  }
0x75: {  	v61 =	vand.u32 $0x7FFFFFFF, v7;
	v1 =	vadd.f32 v5, v1;
	v2 =	vadd.f32 v3, v59  }
0x76: {  	v0 =	vand.u32 $0x7FFFFFFF, v0;
	v4 =	vsub.f32 v4, v6;
	v60 =	vsub.f32 v58, v11  }
0x77: {  	v0 =	vadd.f32 v61, v0  }
0x78: {  	v1 =	vadd.f32 v1, v2;
	v4 =	vand.u32 $0x7FFFFFFF, v4;
	v62 =	vand.u32 $0x7FFFFFFF, v60  }
0x79: {  	v2 =	vadd.f32 v62, v4  }
0x7a: {  	v0 =	vadd.f32 v0, v1  }
0x7b: {  	v63 =	vnsel vm0, $0x0, v2  }
0x7c: {  	v0 =	vadd.f32 v63, v0;
	_ =	sdelay $0x1  }
0x7d: {  	[tilespmem:$0x1E500] =	vst v0  }
0x7e: {  	[hbm4b:s8+s2] =	stream.linear.scatter [tilespmem:s13], [sflag:$0x2], $0x80, $0x38;
	[tilespmem:$0x1E580] =	vst v63  }
0x7f: {  	_ =	swait.ge [sflag:s11], $0x80  }
0x80: {  	[sflag:s11] =	ssyncset.done $0x0  }
0x81: {  	[sflag:s11] =	ssyncadd.s32 $0xFFFFFF80  }
0x82: {  	_ =	sfence.sel $0x180000  }
0x83: {  	[bflag:$0x0] =	sbarrier.arrive $0xFFFF  }
0x84: {  	p0 =	sne.s32 s0, $0x0;
	_ =	strace $0x90000047  }
0x85: {  	s0 =	sadd.s32 @!p0 $0x100000, s1;
	[bflag:$0x2] =	sbarrier.arrive $0xFFFF  }
0x86: {  	[sflag:s0] =	ssyncadd.tile.s32 @!p0 $0x1;
	_ =	shalt  }
.Lfunc_end2:
_tile_overlayer_lowered:
.L_overlay_start_2:
0x87: {  	(tag) =	ssettag $0x2  }
0x88: {  	s0 =	rddreg [dreg:$0x0];
	s2 =	stileid.u32  }
0x89: {  	s1 =	rddreg [dreg:$0x1];
	p0 =	sne.s32 s2, $0x0  }
0x8a: {  	s3 =	rddreg [dreg:$0x2];
	[bflag:$0x3] =	sbarrier.arrive $0xFFFF;
	s2 =	simm.s32 @!p0 $0x1C02  }
0x8b: {  	[timem:s3], [sflag:s2] =	dma.local @!p0 [hbm:s0], s1  }
0x8c: {  	s0 =	simm.s32 @!p0 $0x2  }
0x8d: {  	_ =	swait.ge @!p0 [sflag:s0], s1  }
0x8e: {  	s1 =	ssub.s32 @!p0 $0x0, s1;
	[sflag:s0] =	ssyncset.done @!p0 $0x0  }
0x8f: {  	[sflag:s0] =	ssyncadd.s32 @!p0 s1  }
0x90: {  	[bflag:$0x3] =	sbarrier.arrive $0xFFFF  }
0x91: {  	_ =	shalt  }

</sc_bundles>
